<compile_context>
chip_gen: v7x
topology: tpu7x:2x2x1
jax: 0.10.2.dev20260603
libtpu: 0.0.44.dev20260713+nightly
codegen_flags: <defaults>
</compile_context>

<pallas_src>
import functools

import jax
import jax.numpy as jnp
from jax.experimental import pallas as pl


def _prologue_body(adjt_ref, ws1_ref, wn1_ref, ws2_ref, wn2_ref, b1_ref,
                   b2_ref, acat_ref, ind_ref, bc_ref, bn_ref, mcat_ref):
    adjt = adjt_ref[...]
    maskT = (adjt != 0.0).astype(jnp.float32)
    deg = jnp.sum(maskT, axis=1, keepdims=True)
    inv = jnp.where(deg > 0.0, 1.0 / jnp.maximum(deg, 1.0), 0.0)
    a = inv * maskT
    a2 = jnp.dot(a, a, preferred_element_type=jnp.float32)
    acat_ref[:, 0:512] = a
    acat_ref[:, 512:1024] = a2
    ind_ref[...] = (deg > 0.0).astype(jnp.float32)
    ws1 = ws1_ref[...]
    wn1 = wn1_ref[...]
    ws2 = ws2_ref[...]
    wn2 = wn2_ref[...]
    m1 = jnp.dot(ws2, ws1, preferred_element_type=jnp.float32)
    m2 = (jnp.dot(ws2, wn1, preferred_element_type=jnp.float32)
          + jnp.dot(wn2, ws1, preferred_element_type=jnp.float32))
    m3 = jnp.dot(wn2, wn1, preferred_element_type=jnp.float32)
    b1 = b1_ref[...]
    b2 = b2_ref[...]
    bc_ref[...] = jnp.dot(b1, ws2.T, preferred_element_type=jnp.float32) + b2
    bn_ref[...] = jnp.dot(b1, wn2.T, preferred_element_type=jnp.float32)
    mcat_ref[:, 0:24] = m1.T
    mcat_ref[:, 24:48] = m2.T
    mcat_ref[:, 48:72] = m3.T


def _smallmm_body(xf_ref, mcat_ref, out_ref):
    out_ref[...] = jnp.dot(xf_ref[...], mcat_ref[...],
                           preferred_element_type=jnp.float32)


def _main_body(x1_ref, xcat_ref, acat_ref, adjt_ref, b_ref, o0_ref, z_ref):
    res = (x1_ref[...]
           + jnp.dot(acat_ref[...], xcat_ref[...],
                     preferred_element_type=jnp.float32)
           + b_ref[...])
    o0_ref[...] = 3.5 * res
    z_ref[...] = jnp.dot(adjt_ref[...], res,
                         preferred_element_type=jnp.float32)


@jax.jit
def kernel(x, adj, W_self1, W_neigh1, b1, W_self2, W_neigh2, b2):
    B, C, N, L = x.shape
    F = C * B * L
    TF = 1536
    adjT = adj.T

    acat, ind, bc, bn, mcat = pl.pallas_call(
        _prologue_body,
        out_shape=(
            jax.ShapeDtypeStruct((N, 2 * N), jnp.float32),
            jax.ShapeDtypeStruct((N, 1), jnp.float32),
            jax.ShapeDtypeStruct((1, L), jnp.float32),
            jax.ShapeDtypeStruct((1, L), jnp.float32),
            jax.ShapeDtypeStruct((L, 3 * L), jnp.float32),
        ),
    )(adjT, W_self1, W_neigh1, W_self2, W_neigh2, b1[None, :], b2[None, :])

    xf = x.reshape(B * C * N, L)
    RT = 8192
    xall = pl.pallas_call(
        _smallmm_body,
        grid=(B * C * N // RT,),
        in_specs=[
            pl.BlockSpec((RT, L), lambda i: (i, 0)),
            pl.BlockSpec((L, 3 * L), lambda i: (0, 0)),
        ],
        out_specs=pl.BlockSpec((RT, 3 * L), lambda i: (i, 0)),
        out_shape=jax.ShapeDtypeStruct((B * C * N, 3 * L), jnp.float32),
    )(xf, mcat)

    xall = xall.reshape(B, C, N, 3, L)
    x1 = xall[:, :, :, 0, :].transpose(2, 1, 0, 3).reshape(N, F)
    x2 = xall[:, :, :, 1, :].transpose(2, 1, 0, 3).reshape(N, F)
    x3 = xall[:, :, :, 2, :].transpose(2, 1, 0, 3).reshape(N, F)
    xcat = jnp.concatenate([x2, x3], axis=0)

    bmat = (jnp.tile(bc, (1, TF // L))
            + ind * jnp.tile(bn, (1, TF // L)))

    o0, z = pl.pallas_call(
        _main_body,
        grid=(F // TF,),
        in_specs=[
            pl.BlockSpec((N, TF), lambda i: (0, i)),
            pl.BlockSpec((2 * N, TF), lambda i: (0, i)),
            pl.BlockSpec((N, 2 * N), lambda i: (0, 0)),
            pl.BlockSpec((N, N), lambda i: (0, 0)),
            pl.BlockSpec((N, TF), lambda i: (0, 0)),
        ],
        out_specs=(
            pl.BlockSpec((N, TF), lambda i: (0, i)),
            pl.BlockSpec((N, TF), lambda i: (0, i)),
        ),
        out_shape=(
            jax.ShapeDtypeStruct((N, F), jnp.float32),
            jax.ShapeDtypeStruct((N, F), jnp.float32),
        ),
    )(x1, xcat, acat, adjT, bmat)

    o0r = o0.reshape(N, C, B, L).transpose(2, 1, 0, 3)
    zr = z.reshape(N, C, B, L).transpose(2, 1, 0, 3)
    out = jnp.stack([o0r, zr], axis=2)
    return out.reshape(B, C * 2, N, L)

# --- scband reference (transcript-rebuilt; emitter-appended) ---
"""Pipeline reference for scband-graph-sage-31138512896154 (READ-ONLY COPY).

The authoritative reference and input builder live on the scoring server;
editing this copy changes nothing except your own understanding.
"""

import jax, jax.numpy as jnp
import numpy as np

N_SAMPLE, FEAT_IN, N_NODE, LENGTH = 64, 24, 512, 24


def setup_inputs(seed: int = 0) -> dict:
    key = jax.random.key(seed)
    ks = jax.random.split(key, 10)
    x = jax.random.normal(ks[0], (N_SAMPLE, FEAT_IN, N_NODE, LENGTH), dtype=jnp.float32)
    adj = jax.random.uniform(ks[1], (N_NODE, N_NODE), dtype=jnp.float32)
    W_self1 = jax.random.normal(ks[2], (24, 24), dtype=jnp.float32) * 0.1
    W_neigh1 = jax.random.normal(ks[3], (24, 24), dtype=jnp.float32) * 0.1
    b1 = jax.random.normal(ks[4], (24,), dtype=jnp.float32) * 0.1
    W_self2 = jax.random.normal(ks[5], (24, 24), dtype=jnp.float32) * 0.1
    W_neigh2 = jax.random.normal(ks[6], (24, 24), dtype=jnp.float32) * 0.1
    b2 = jax.random.normal(ks[7], (24,), dtype=jnp.float32) * 0.1
    return {"x": x, "adj": adj, "W_self1": W_self1, "W_neigh1": W_neigh1, "b1": b1,
            "W_self2": W_self2, "W_neigh2": W_neigh2, "b2": b2}


def _sage_conv(feat, mask_T, inv_deg, W_self, W_neigh, b):
    # feat: [N, C, B, L]; DGL SAGEConv 'mean': out = fc_self(h) + fc_neigh(mean_neigh(h)) + bias
    N = feat.shape[0]
    flat = feat.reshape(N, -1)
    neigh = (mask_T @ flat) * inv_deg[:, None]
    neigh = neigh.reshape(feat.shape)
    return feat @ W_self.T + neigh @ W_neigh.T + b


def reference(x, adj, W_self1, W_neigh1, b1, W_self2, W_neigh2, b2):
    B, C, N, L = x.shape
    # graph built from nonzero entries of adj: edge src=i -> dst=j for adj[i, j] != 0
    mask = (adj != 0).astype(x.dtype)          # [N, N]
    mask_T = mask.T                              # dst-major for aggregation
    deg = mask.sum(axis=0)                       # in-degree per dst node
    inv_deg = jnp.where(deg > 0, 1.0 / jnp.clip(deg, 1.0), 0.0)
    res = jnp.transpose(x, (2, 1, 0, 3))        # [N, C, B, L]
    res = _sage_conv(res, mask_T, inv_deg, W_self1, W_neigh1, b1)
    res = _sage_conv(res, mask_T, inv_deg, W_self2, W_neigh2, b2)
    res = jnp.transpose(res, (2, 1, 0, 3))      # [B, C, N, L]
    L0 = jnp.eye(N, dtype=x.dtype) * 3.5
    Ls = jnp.stack([L0, adj])                    # [2, N, N]
    out = jnp.einsum('bcnl,knq->bckql', res, Ls)
    return out.reshape(B, C * 2, N, L)

if __name__ == "__main__":
    import jax
    _d = setup_inputs()
    print(jax.jit(kernel)(*tuple(_d.values())))

</pallas_src>

<mosaic_0001>
module attributes {stable_mosaic.version = 14 : i64} {
  func.func @_prologue_body(%arg0: memref<512x512xf32, #tpu.memory_space<vmem>>, %arg1: memref<24x24xf32, #tpu.memory_space<vmem>>, %arg2: memref<24x24xf32, #tpu.memory_space<vmem>>, %arg3: memref<24x24xf32, #tpu.memory_space<vmem>>, %arg4: memref<24x24xf32, #tpu.memory_space<vmem>>, %arg5: memref<1x24xf32, #tpu.memory_space<vmem>>, %arg6: memref<1x24xf32, #tpu.memory_space<vmem>>, %arg7: memref<512x1024xf32, #tpu.memory_space<vmem>>, %arg8: memref<512x1xf32, #tpu.memory_space<vmem>>, %arg9: memref<1x24xf32, #tpu.memory_space<vmem>>, %arg10: memref<1x24xf32, #tpu.memory_space<vmem>>, %arg11: memref<24x72xf32, #tpu.memory_space<vmem>>) attributes {dimension_semantics = [], scalar_prefetch = 0 : i64, scratch_operands = 0 : i64, tpu.core_type = #tpu.core_type<tc>} {
    %get3A = arith.constant 0 : index
    %get3A_0 = arith.constant 0 : index
    %get3A_1 = vector.load %arg0[%get3A, %get3A_0] : memref<512x512xf32, #tpu.memory_space<vmem>>, vector<512x512xf32>
    %ne3A = arith.constant 0.000000e+00 : f32
    %ne3A_2 = vector.broadcast %ne3A : f32 to vector<512x512xf32>
    %ne3A_3 = arith.cmpf one, %get3A_1, %ne3A_2 : vector<512x512xf32>
    %convert_element_type3A = arith.extui %ne3A_3 : vector<512x512xi1> to vector<512x512xi32>
    %convert_element_type3A_4 = arith.sitofp %convert_element_type3A : vector<512x512xi32> to vector<512x512xf32>
    %reduce_sum3A = arith.constant dense<0.000000e+00> : vector<512xf32>
    %reduce_sum3A_5 = vector.multi_reduction <add>, %convert_element_type3A_4, %reduce_sum3A [1] : vector<512x512xf32> to vector<512xf32>
    %broadcast_in_dim3A = vector.shape_cast %reduce_sum3A_5 : vector<512xf32> to vector<512x1xf32>
    %gt3A = arith.constant 0.000000e+00 : f32
    %gt3A_6 = vector.broadcast %gt3A : f32 to vector<512x1xf32>
    %gt3A_7 = arith.cmpf ogt, %broadcast_in_dim3A, %gt3A_6 : vector<512x1xf32>
    %max3A = arith.constant 1.000000e+00 : f32
    %max3A_8 = vector.broadcast %max3A : f32 to vector<512x1xf32>
    %max3A_9 = arith.maximumf %broadcast_in_dim3A, %max3A_8 : vector<512x1xf32>
    %div3A = arith.constant 1.000000e+00 : f32
    %div3A_10 = vector.broadcast %div3A : f32 to vector<512x1xf32>
    %div3A_11 = arith.divf %div3A_10, %max3A_9 : vector<512x1xf32>
    %jit3A = arith.constant 0.000000e+00 : f32
    %broadcast_in_dim3A_12 = vector.broadcast %jit3A : f32 to vector<512x1xf32>
    %select_n3A = arith.select %gt3A_7, %div3A_11, %broadcast_in_dim3A_12 : vector<512x1xi1>, vector<512x1xf32>
    %mul3A = vector.broadcast %select_n3A : vector<512x1xf32> to vector<512x512xf32>
    %mul3A_13 = arith.mulf %mul3A, %convert_element_type3A_4 : vector<512x512xf32>
    %dot_general3A = arith.constant dense<0.000000e+00> : vector<512x512xf32>
    %dot_general3A_14 = tpu.matmul %mul3A_13, %mul3A_13, %dot_general3A {dimension_numbers = #tpu.dot_dimension_numbers<[1], [0], [0], [1], [0, 0, 1, 1], [], []>, transpose_lhs_hint = false} : vector<512x512xf32>, vector<512x512xf32>, vector<512x512xf32> -> vector<512x512xf32>
    %swap3A = arith.constant 0 : index
    %swap3A_15 = arith.constant 0 : index
    %swap3A_16 = vector.load %arg7[%swap3A, %swap3A_15] : memref<512x1024xf32, #tpu.memory_space<vmem>>, vector<512x512xf32>
    tpu.vector_store %arg7[%swap3A, %swap3A_15], %mul3A_13 {strides = array<i32>} : memref<512x1024xf32, #tpu.memory_space<vmem>>, vector<512x512xf32>,
    %swap3A_17 = arith.constant 0 : index
    %swap3A_18 = arith.constant 512 : index
    %swap3A_19 = vector.load %arg7[%swap3A_17, %swap3A_18] : memref<512x1024xf32, #tpu.memory_space<vmem>>, vector<512x512xf32>
    tpu.vector_store %arg7[%swap3A_17, %swap3A_18], %dot_general3A_14 {strides = array<i32>} : memref<512x1024xf32, #tpu.memory_space<vmem>>, vector<512x512xf32>,
    %gt3A_20 = arith.constant 0.000000e+00 : f32
    %gt3A_21 = vector.broadcast %gt3A_20 : f32 to vector<512x1xf32>
    %gt3A_22 = arith.cmpf ogt, %broadcast_in_dim3A, %gt3A_21 : vector<512x1xf32>
    %convert_element_type3A_23 = arith.extui %gt3A_22 : vector<512x1xi1> to vector<512x1xi32>
    %convert_element_type3A_24 = arith.sitofp %convert_element_type3A_23 : vector<512x1xi32> to vector<512x1xf32>
    %swap3A_25 = arith.constant 0 : index
    %swap3A_26 = arith.constant 0 : index
    %swap3A_27 = vector.load %arg8[%swap3A_25, %swap3A_26] : memref<512x1xf32, #tpu.memory_space<vmem>>, vector<512x1xf32>
    tpu.vector_store %arg8[%swap3A_25, %swap3A_26], %convert_element_type3A_24 {strides = array<i32>} : memref<512x1xf32, #tpu.memory_space<vmem>>, vector<512x1xf32>,
    %get3A_28 = arith.constant 0 : index
    %get3A_29 = arith.constant 0 : index
    %get3A_30 = vector.load %arg1[%get3A_28, %get3A_29] : memref<24x24xf32, #tpu.memory_space<vmem>>, vector<24x24xf32>
    %get3A_31 = arith.constant 0 : index
    %get3A_32 = arith.constant 0 : index
    %get3A_33 = vector.load %arg2[%get3A_31, %get3A_32] : memref<24x24xf32, #tpu.memory_space<vmem>>, vector<24x24xf32>
    %get3A_34 = arith.constant 0 : index
    %get3A_35 = arith.constant 0 : index
    %get3A_36 = vector.load %arg3[%get3A_34, %get3A_35] : memref<24x24xf32, #tpu.memory_space<vmem>>, vector<24x24xf32>
    %get3A_37 = arith.constant 0 : index
    %get3A_38 = arith.constant 0 : index
    %get3A_39 = vector.load %arg4[%get3A_37, %get3A_38] : memref<24x24xf32, #tpu.memory_space<vmem>>, vector<24x24xf32>
    %dot_general3A_40 = arith.constant dense<0.000000e+00> : vector<24x24xf32>
    %dot_general3A_41 = tpu.matmul %get3A_36, %get3A_30, %dot_general3A_40 {dimension_numbers = #tpu.dot_dimension_numbers<[1], [0], [0], [1], [0, 0, 1, 1], [], []>, transpose_lhs_hint = false} : vector<24x24xf32>, vector<24x24xf32>, vector<24x24xf32> -> vector<24x24xf32>
    %dot_general3A_42 = arith.constant dense<0.000000e+00> : vector<24x24xf32>
    %dot_general3A_43 = tpu.matmul %get3A_36, %get3A_33, %dot_general3A_42 {dimension_numbers = #tpu.dot_dimension_numbers<[1], [0], [0], [1], [0, 0, 1, 1], [], []>, transpose_lhs_hint = false} : vector<24x24xf32>, vector<24x24xf32>, vector<24x24xf32> -> vector<24x24xf32>
    %dot_general3A_44 = arith.constant dense<0.000000e+00> : vector<24x24xf32>
    %dot_general3A_45 = tpu.matmul %get3A_39, %get3A_30, %dot_general3A_44 {dimension_numbers = #tpu.dot_dimension_numbers<[1], [0], [0], [1], [0, 0, 1, 1], [], []>, transpose_lhs_hint = false} : vector<24x24xf32>, vector<24x24xf32>, vector<24x24xf32> -> vector<24x24xf32>
    %add3A = arith.addf %dot_general3A_43, %dot_general3A_45 : vector<24x24xf32>
    %dot_general3A_46 = arith.constant dense<0.000000e+00> : vector<24x24xf32>
    %dot_general3A_47 = tpu.matmul %get3A_39, %get3A_33, %dot_general3A_46 {dimension_numbers = #tpu.dot_dimension_numbers<[1], [0], [0], [1], [0, 0, 1, 1], [], []>, transpose_lhs_hint = false} : vector<24x24xf32>, vector<24x24xf32>, vector<24x24xf32> -> vector<24x24xf32>
    %get3A_48 = arith.constant 0 : index
    %get3A_49 = arith.constant 0 : index
    %get3A_50 = vector.load %arg5[%get3A_48, %get3A_49] : memref<1x24xf32, #tpu.memory_space<vmem>>, vector<1x24xf32>
    %get3A_51 = arith.constant 0 : index
    %get3A_52 = arith.constant 0 : index
    %get3A_53 = vector.load %arg6[%get3A_51, %get3A_52] : memref<1x24xf32, #tpu.memory_space<vmem>>, vector<1x24xf32>
    %transpose3A = tpu.transpose %get3A_36, [1, 0] : vector<24x24xf32> -> vector<24x24xf32>
    %dot_general3A_54 = arith.constant dense<0.000000e+00> : vector<1x24xf32>
    %dot_general3A_55 = tpu.matmul %get3A_50, %transpose3A, %dot_general3A_54 {dimension_numbers = #tpu.dot_dimension_numbers<[1], [0], [0], [1], [0, 0, 1, 1], [], []>, transpose_lhs_hint = false} : vector<1x24xf32>, vector<24x24xf32>, vector<1x24xf32> -> vector<1x24xf32>
    %add3A_56 = arith.addf %dot_general3A_55, %get3A_53 : vector<1x24xf32>
    %swap3A_57 = arith.constant 0 : index
    %swap3A_58 = arith.constant 0 : index
    %swap3A_59 = vector.load %arg9[%swap3A_57, %swap3A_58] : memref<1x24xf32, #tpu.memory_space<vmem>>, vector<1x24xf32>
    tpu.vector_store %arg9[%swap3A_57, %swap3A_58], %add3A_56 {strides = array<i32>} : memref<1x24xf32, #tpu.memory_space<vmem>>, vector<1x24xf32>,
    %transpose3A_60 = tpu.transpose %get3A_39, [1, 0] : vector<24x24xf32> -> vector<24x24xf32>
    %dot_general3A_61 = arith.constant dense<0.000000e+00> : vector<1x24xf32>
    %dot_general3A_62 = tpu.matmul %get3A_50, %transpose3A_60, %dot_general3A_61 {dimension_numbers = #tpu.dot_dimension_numbers<[1], [0], [0], [1], [0, 0, 1, 1], [], []>, transpose_lhs_hint = false} : vector<1x24xf32>, vector<24x24xf32>, vector<1x24xf32> -> vector<1x24xf32>
    %swap3A_63 = arith.constant 0 : index
    %swap3A_64 = arith.constant 0 : index
    %swap3A_65 = vector.load %arg10[%swap3A_63, %swap3A_64] : memref<1x24xf32, #tpu.memory_space<vmem>>, vector<1x24xf32>
    tpu.vector_store %arg10[%swap3A_63, %swap3A_64], %dot_general3A_62 {strides = array<i32>} : memref<1x24xf32, #tpu.memory_space<vmem>>, vector<1x24xf32>,
    %transpose3A_66 = tpu.transpose %dot_general3A_41, [1, 0] : vector<24x24xf32> -> vector<24x24xf32>
    %swap3A_67 = arith.constant 0 : index
    %swap3A_68 = arith.constant 0 : index
    %swap3A_69 = vector.load %arg11[%swap3A_67, %swap3A_68] : memref<24x72xf32, #tpu.memory_space<vmem>>, vector<24x24xf32>
    tpu.vector_store %arg11[%swap3A_67, %swap3A_68], %transpose3A_66 {strides = array<i32>} : memref<24x72xf32, #tpu.memory_space<vmem>>, vector<24x24xf32>,
    %transpose3A_70 = tpu.transpose %add3A, [1, 0] : vector<24x24xf32> -> vector<24x24xf32>
    %swap3A_71 = arith.constant 0 : index
    %swap3A_72 = arith.constant 24 : index
    %swap3A_73 = vector.load %arg11[%swap3A_71, %swap3A_72] : memref<24x72xf32, #tpu.memory_space<vmem>>, vector<24x24xf32>
    tpu.vector_store %arg11[%swap3A_71, %swap3A_72], %transpose3A_70 {strides = array<i32>} : memref<24x72xf32, #tpu.memory_space<vmem>>, vector<24x24xf32>,
    %transpose3A_74 = tpu.transpose %dot_general3A_47, [1, 0] : vector<24x24xf32> -> vector<24x24xf32>
    %swap3A_75 = arith.constant 0 : index
    %swap3A_76 = arith.constant 48 : index
    %swap3A_77 = vector.load %arg11[%swap3A_75, %swap3A_76] : memref<24x72xf32, #tpu.memory_space<vmem>>, vector<24x24xf32>
    tpu.vector_store %arg11[%swap3A_75, %swap3A_76], %transpose3A_74 {strides = array<i32>} : memref<24x72xf32, #tpu.memory_space<vmem>>, vector<24x24xf32>,
    return
  }
}

module attributes {stable_mosaic.version = 14 : i64} {
  func.func @_smallmm_body(%arg0: i32, %arg1: memref<8192x24xf32, #tpu.memory_space<vmem>>, %arg2: memref<24x72xf32, #tpu.memory_space<vmem>>, %arg3: memref<8192x72xf32, #tpu.memory_space<vmem>>) attributes {dimension_semantics = [#tpu.dimension_semantics<arbitrary>], iteration_bounds = array<i64: 96>, scalar_prefetch = 0 : i64, scratch_operands = 0 : i64, tpu.core_type = #tpu.core_type<tc>, window_params = [{transform_indices = @transform_0, window_bounds = array<i64: 8192, 24>}, {pipeline_mode = #tpu.pipeline_mode<synchronous>, transform_indices = @transform_1, window_bounds = array<i64: 24, 72>}, {transform_indices = @transform_2, window_bounds = array<i64: 8192, 72>}]} {
    %get3A = arith.constant 0 : index
    %get3A_0 = arith.constant 0 : index
    %get3A_1 = vector.load %arg1[%get3A, %get3A_0] : memref<8192x24xf32, #tpu.memory_space<vmem>>, vector<8192x24xf32>
    %get3A_2 = arith.constant 0 : index
    %get3A_3 = arith.constant 0 : index
    %get3A_4 = vector.load %arg2[%get3A_2, %get3A_3] : memref<24x72xf32, #tpu.memory_space<vmem>>, vector<24x72xf32>
    %dot_general3A = arith.constant dense<0.000000e+00> : vector<8192x72xf32>
    %dot_general3A_5 = tpu.matmul %get3A_1, %get3A_4, %dot_general3A {dimension_numbers = #tpu.dot_dimension_numbers<[1], [0], [0], [1], [0, 0, 1, 1], [], []>, transpose_lhs_hint = false} : vector<8192x24xf32>, vector<24x72xf32>, vector<8192x72xf32> -> vector<8192x72xf32>
    %swap3A = arith.constant 0 : index
    %swap3A_6 = arith.constant 0 : index
    %swap3A_7 = vector.load %arg3[%swap3A, %swap3A_6] : memref<8192x72xf32, #tpu.memory_space<vmem>>, vector<8192x72xf32>
    tpu.vector_store %arg3[%swap3A, %swap3A_6], %dot_general3A_5 {strides = array<i32>} : memref<8192x72xf32, #tpu.memory_space<vmem>>, vector<8192x72xf32>,
    return
  }
  func.func @transform_0(%arg0: i32) -> (i32, i32) {
    %c0_i32 = arith.constant 0 : i32
    %c0_i32_0 = arith.constant 0 : i32
    return %arg0, %c0_i32 : i32, i32
  }
  func.func @transform_1(%arg0: i32) -> (i32, i32) {
    %c0_i32 = arith.constant 0 : i32
    %c0_i32_0 = arith.constant 0 : i32
    %c0_i32_1 = arith.constant 0 : i32
    return %c0_i32, %c0_i32_0 : i32, i32
  }
  func.func @transform_2(%arg0: i32) -> (i32, i32) {
    %c0_i32 = arith.constant 0 : i32
    %c0_i32_0 = arith.constant 0 : i32
    return %arg0, %c0_i32 : i32, i32
  }
}

module attributes {stable_mosaic.version = 14 : i64} {
  func.func @_main_body(%arg0: i32, %arg1: memref<512x1536xf32, #tpu.memory_space<vmem>>, %arg2: memref<1024x1536xf32, #tpu.memory_space<vmem>>, %arg3: memref<512x1024xf32, #tpu.memory_space<vmem>>, %arg4: memref<512x512xf32, #tpu.memory_space<vmem>>, %arg5: memref<512x1536xf32, #tpu.memory_space<vmem>>, %arg6: memref<512x1536xf32, #tpu.memory_space<vmem>>, %arg7: memref<512x1536xf32, #tpu.memory_space<vmem>>) attributes {dimension_semantics = [#tpu.dimension_semantics<arbitrary>], iteration_bounds = array<i64: 24>, scalar_prefetch = 0 : i64, scratch_operands = 0 : i64, tpu.core_type = #tpu.core_type<tc>, window_params = [{transform_indices = @transform_0, window_bounds = array<i64: 512, 1536>}, {transform_indices = @transform_1, window_bounds = array<i64: 1024, 1536>}, {pipeline_mode = #tpu.pipeline_mode<synchronous>, transform_indices = @transform_2, window_bounds = array<i64: 512, 1024>}, {pipeline_mode = #tpu.pipeline_mode<synchronous>, transform_indices = @transform_3, window_bounds = array<i64: 512, 512>}, {pipeline_mode = #tpu.pipeline_mode<synchronous>, transform_indices = @transform_4, window_bounds = array<i64: 512, 1536>}, {transform_indices = @transform_5, window_bounds = array<i64: 512, 1536>}, {transform_indices = @transform_6, window_bounds = array<i64: 512, 1536>}]} {
    %get3A = arith.constant 0 : index
    %get3A_0 = arith.constant 0 : index
    %get3A_1 = vector.load %arg1[%get3A, %get3A_0] : memref<512x1536xf32, #tpu.memory_space<vmem>>, vector<512x1536xf32>
    %get3A_2 = arith.constant 0 : index
    %get3A_3 = arith.constant 0 : index
    %get3A_4 = vector.load %arg3[%get3A_2, %get3A_3] : memref<512x1024xf32, #tpu.memory_space<vmem>>, vector<512x1024xf32>
    %get3A_5 = arith.constant 0 : index
    %get3A_6 = arith.constant 0 : index
    %get3A_7 = vector.load %arg2[%get3A_5, %get3A_6] : memref<1024x1536xf32, #tpu.memory_space<vmem>>, vector<1024x1536xf32>
    %dot_general3A = arith.constant dense<0.000000e+00> : vector<512x1536xf32>
    %dot_general3A_8 = tpu.matmul %get3A_4, %get3A_7, %dot_general3A {dimension_numbers = #tpu.dot_dimension_numbers<[1], [0], [0], [1], [0, 0, 1, 1], [], []>, transpose_lhs_hint = false} : vector<512x1024xf32>, vector<1024x1536xf32>, vector<512x1536xf32> -> vector<512x1536xf32>
    %add3A = arith.addf %get3A_1, %dot_general3A_8 : vector<512x1536xf32>
    %get3A_9 = arith.constant 0 : index
    %get3A_10 = arith.constant 0 : index
    %get3A_11 = vector.load %arg5[%get3A_9, %get3A_10] : memref<512x1536xf32, #tpu.memory_space<vmem>>, vector<512x1536xf32>
    %add3A_12 = arith.addf %add3A, %get3A_11 : vector<512x1536xf32>
    %mul3A = arith.constant 3.500000e+00 : f32
    %mul3A_13 = vector.broadcast %mul3A : f32 to vector<512x1536xf32>
    %mul3A_14 = arith.mulf %mul3A_13, %add3A_12 : vector<512x1536xf32>
    %swap3A = arith.constant 0 : index
    %swap3A_15 = arith.constant 0 : index
    %swap3A_16 = vector.load %arg6[%swap3A, %swap3A_15] : memref<512x1536xf32, #tpu.memory_space<vmem>>, vector<512x1536xf32>
    tpu.vector_store %arg6[%swap3A, %swap3A_15], %mul3A_14 {strides = array<i32>} : memref<512x1536xf32, #tpu.memory_space<vmem>>, vector<512x1536xf32>,
    %get3A_17 = arith.constant 0 : index
    %get3A_18 = arith.constant 0 : index
    %get3A_19 = vector.load %arg4[%get3A_17, %get3A_18] : memref<512x512xf32, #tpu.memory_space<vmem>>, vector<512x512xf32>
    %dot_general3A_20 = arith.constant dense<0.000000e+00> : vector<512x1536xf32>
    %dot_general3A_21 = tpu.matmul %get3A_19, %add3A_12, %dot_general3A_20 {dimension_numbers = #tpu.dot_dimension_numbers<[1], [0], [0], [1], [0, 0, 1, 1], [], []>, transpose_lhs_hint = false} : vector<512x512xf32>, vector<512x1536xf32>, vector<512x1536xf32> -> vector<512x1536xf32>
    %swap3A_22 = arith.constant 0 : index
    %swap3A_23 = arith.constant 0 : index
    %swap3A_24 = vector.load %arg7[%swap3A_22, %swap3A_23] : memref<512x1536xf32, #tpu.memory_space<vmem>>, vector<512x1536xf32>
    tpu.vector_store %arg7[%swap3A_22, %swap3A_23], %dot_general3A_21 {strides = array<i32>} : memref<512x1536xf32, #tpu.memory_space<vmem>>, vector<512x1536xf32>,
    return
  }
  func.func @transform_0(%arg0: i32) -> (i32, i32) {
    %c0_i32 = arith.constant 0 : i32
    %c0_i32_0 = arith.constant 0 : i32
    return %c0_i32, %arg0 : i32, i32
  }
  func.func @transform_1(%arg0: i32) -> (i32, i32) {
    %c0_i32 = arith.constant 0 : i32
    %c0_i32_0 = arith.constant 0 : i32
    return %c0_i32, %arg0 : i32, i32
  }
  func.func @transform_2(%arg0: i32) -> (i32, i32) {
    %c0_i32 = arith.constant 0 : i32
    %c0_i32_0 = arith.constant 0 : i32
    %c0_i32_1 = arith.constant 0 : i32
    return %c0_i32, %c0_i32_0 : i32, i32
  }
  func.func @transform_3(%arg0: i32) -> (i32, i32) {
    %c0_i32 = arith.constant 0 : i32
    %c0_i32_0 = arith.constant 0 : i32
    %c0_i32_1 = arith.constant 0 : i32
    return %c0_i32, %c0_i32_0 : i32, i32
  }
  func.func @transform_4(%arg0: i32) -> (i32, i32) {
    %c0_i32 = arith.constant 0 : i32
    %c0_i32_0 = arith.constant 0 : i32
    %c0_i32_1 = arith.constant 0 : i32
    return %c0_i32, %c0_i32_0 : i32, i32
  }
  func.func @transform_5(%arg0: i32) -> (i32, i32) {
    %c0_i32 = arith.constant 0 : i32
    %c0_i32_0 = arith.constant 0 : i32
    return %c0_i32, %arg0 : i32, i32
  }
  func.func @transform_6(%arg0: i32) -> (i32, i32) {
    %c0_i32 = arith.constant 0 : i32
    %c0_i32_0 = arith.constant 0 : i32
    return %c0_i32, %arg0 : i32, i32
  }
}

</mosaic_0001>

<sc_bundles>
// kernel: sparse-core-data-format-call.1.cloned.1.call-start
scs
called_computation.1_lowered:
.L_overlay_start_0:
0x0: {  	s2 =	sld [smem:$0x3FD9]  }
0x1: {  	s3 =	sld [smem:$0x3FFE];
	_ =	sdelay $0x1  }
0x2: {  	s1 =	srdreg.scid  }
0x3: {  	s0 =	sand.u32 $0x1, s1  }
0x4: {  	s18 =	sshll.u32 s0, $0xA;
	s2 =	sadd.s32 s3, s2  }
0x5: {  	s2 =	sadd.s32 s2, s18  }
0x6: {  	[smem:$0x3FC0] =	sst s2  }
0x7: {  	_ = 	snop  }
0x8: {  	(tm) =	ssettm $0x1  }
0x9: {  	s19 =	sld [smem:$0x3FFB];
	_ =	sdelay $0x3  }
0xa: {  	_ =	strace s19  }
0xb: {  	s2 =	sld [smem:$0x3FFC];
	_ =	sdelay $0x3  }
0xc: {  	_ =	strace s2  }
0xd: {  	s2 =	sld [smem:$0x3FFD];
	_ =	sdelay $0x3  }
0xe: {  	_ =	strace s2  }
0xf: {  	_ =	strace $0x8FFFFFFF  }
0x10: {  	s20 =	sld [smem:$0x3FDB];
	_ =	sdelay $0x1  }
0x11: {  	s21 =	simm.s32 $_scs_section_size  }
0x12: {  	s4 =	simm.s32 $_size__tile_overlayer_lowered;
	s5 =	simm.s32 $_tile_overlayer_lowered  }
0x13: {  	s6 =	simm.s32 $0x1BFF;
	s22 =	sshll.u32 s5, $0x1;
	s3 =	sadd.s32 s21, s20  }
0x14: {  	s23 =	simm.s32 $0x0;
	s4 =	sshll.u32 s4, $0x1;
	s5 =	sadd.s32 s22, s3  }
0x15: {  	[timem:s23], [sflag:s6] =	dma.local [hbm:s5], s4  }
0x16: {  	_ =	swait.ge [sflag:s6], s4  }
0x17: {  	s4 =	ssub.s32 $0x0, s4;
	[sflag:s6] =	ssyncset.done $0x0  }
0x18: {  	[sflag:s6] =	ssyncadd.s32 s4;
	_ =	sdelay $0x1  }
0x19: {  	s24 =	simm.s32 $0x1B8B  }
0x1a: {  	_ =	swait.ge [sflag:s24], $0x1  }
0x1b: {  	[sflag:s24] =	ssyncset.done $0x0  }
0x1c: {  	[sflag:s24] =	ssyncadd.s32 $0xFFFFFFFF  }
0x1d: {  	s4 =	sld [smem:$0x0]  }
0x1e: {  	s5 =	sand.u32 $0xFFFFFFFE, s1  }
0x1f: {  	p0 =	sne.s32 s1, s5  }
0x20: {  	s5 =	sshll.u32 @p0 s5, $0xE  }
0x21: {  	s5 =	sadd.s32 @p0 $0x11B8D, s5;
	s6 =	sshll.u32 @p0 s4, $0x11  }
0x22: {  	s5 =	sor.u32 @p0 s6, s5  }
0x23: {  	[sflag:s5] =	ssyncadd.remote.s32 @p0 $0x1;
	_ =	sdelay $0x1  }
0x24: {  	s5 =	simm.s32 @p0 $0x1B8D  }
0x25: {  	_ =	swait.eq @p0 [sflag:s5], $0x1  }
0x26: {  	[sflag:s5] =	ssyncadd.s32 @p0 $0xFFFFFFFF  }
0x27: {  	s6 =	sshll.u32 @!p0 s1, $0xE  }
0x28: {  	s6 =	sor.u32 @!p0 $0x4000, s6;
	s5 =	simm.s32 @!p0 $0x1B8D  }
0x29: {  	s4 =	sshll.u32 @!p0 s4, $0x11;
	s6 =	sadd.s32 @!p0 $0x11B8D, s6;
	_ =	swait.eq @!p0 [sflag:s5], $0x1  }
0x2a: {  	s4 =	sor.u32 @!p0 s4, s6;
	[sflag:s5] =	ssyncadd.s32 @!p0 $0xFFFFFFFF  }
0x2b: {  	s26 =	simm.s32 $0x1B8E;
	s25 =	sld [smem:$0x3FFE];
	[sflag:s4] =	ssyncadd.remote.s32 @!p0 $0x1  }
0x2c: {  	s27 =	simm.s32 $execute0_lowered;
	[smem:$0x3FD2] =	sst s26  }
0x2d: {  	s5 =	sshll.u32 s27, $0x1;
	_ =	strace $0x8000004C;
	[dreg:$0x1] =	wrdreg $0xFFFFFFFF  }
0x2e: {  	s28 =	simm.s32 $_size_execute0_lowered;
	s3 =	sadd.s32 s3, s5;
	[dreg:$0x0] =	wrdreg $0x0  }
0x2f: {  	s5 =	sshll.u32 s28, $0x1;
	[dreg:$0x2] =	wrdreg s3  }
0x30: {  	[dreg:$0x3] =	wrdreg s5  }
0x31: {  	[dreg:$0x4] =	wrdreg $0xC0  }
0x32: {  	_ =	task [dreg:s23], $0x5FFFF  }
0x33: {  	[dreg:$0x1] =	wrdreg $0xFFFFFFFF  }
0x34: {  	[dreg:$0x0] =	wrdreg $0x60  }
0x35: {  	[dreg:$0x2] =	wrdreg s25  }
0x36: {  	[dreg:$0x3] =	wrdreg $0x9  }
0x37: {  	_ =	task.clear_ibuf [dreg:s23], $0x4FFFF;
	_ =	strace $0x9000004C  }
0x38: {  	s29 =	simm.s32 $0x9;
	_ =	strace $0x8000004E  }
0x39: {  	_ =	swait.ge [sflag:s29], $0x1  }
0x3a: {  	[sflag:s29] =	ssyncadd.s32 $0xFFFFFFFF  }
0x3b: {  	_ =	strace $0x9000004E  }
0x3c: {  	_ =	sfence  }
0x3d: {  	s30 =	sld [smem:$0x0];
	_ =	sdelay $0x2  }
0x3e: {  	s31 =	sshll.u32 s1, $0xD;
	s1 =	sshrl.u32 s1, $0x2  }
0x3f: {  	s4 =	sand.u32 $0x4000, s31;
	s1 =	sadd.s32 s1, s30  }
0x40: {  	s0 =	sor.u32 s4, s0;
	s1 =	sshll.u32 s1, $0x11  }
0x41: {  	s0 =	sor.u32 s1, s0  }
0x42: {  	s0 =	sadd.s32 $0x8F2B, s0  }
0x43: {  	[sflag:s0] =	ssyncadd.remote.s32 $0x1  }
0x44: {  	_ =	sfence.sel $0xFFFF  }
0x45: {  	[dreg:$0x0] =	wrdreg $0xFFFFFFFF;
	(pc) =	sbr.abs _section_cstart, $3  }
0x46: {  	[dreg:$0x1] =	wrdreg $0xFFFFFFFF  }
0x47: {  	_ =	task.clear_ibuf [dreg:s23], $0x2FFFF;
	_ =	strace $0x9FFFFFFF  }
0x48: {  	(tm) =	ssettm $0x7FFFFFFF  }
0x49: {  	_ =	shalt  }
tec
execute0_lowered:
.L_overlay_start_1:
0x0: {  	(tag) =	ssettag $0x1  }
0x1: {  	s0 =	srdreg.scid  }
0x2: {  	s1 =	sshll.u32 s0, $0x4  }
0x3: {  	s6 =	rddreg [dreg:$0x0];
	s0 =	stileid.u32;
	s1 =	sand.u32 $0x10, s1  }
0x4: {  	s5 =	simm.s32 $0x1;
	s31 =	simm.s32 $0x2;
	s1 =	sor.u32 s0, s1  }
0x5: {  	s12 =	simm.s32 $0x0;
	s8 =	simm.s32 $0x48000;
	s2 =	sshll.u32 s1, $0x7  }
0x6: {  	s13 =	simm.s32 $0x0;
	s9 =	simm.s32 $0x0;
	s3 =	ssub.s32 $0x9000, s2  }
0x7: {  	s11 =	simm.s32 $0x0;
	s1 =	rddreg [dreg:$0x1];
	s4 =	sand.u32 $0xF80, s3  }
.Ltmp0:
0x8: {  	_ =	strace $0x8000004D;
	p0 =	sne.s32 s4, $0x0;
	(pc) =	sbr.rel .LBB1_1-.Ltmp0, $4  }
0x9: {  	s10 =	smov.u32 s2;
	s7 =	sshrl.u32 s3, $0xC;
	s5 =	simm.s32 @!p0 $0x0  }
0xa: {  	s3 =	sadd.s32 $0x6C3600, s6;
	s4 =	simm.s32 $0x1;
	s5 =	sadd.s32 s5, s7  }
0xb: {  	s6 =	sadd.s32 $0x903600, s6;
	[sflag:s4] =	ssyncpa.u1 $0x0;
	s5 =	sshll.u32 s5, $0x2  }
0xc: {  	p0 =	por $0x0, $0x0;
	[sflag:s31] =	ssyncpa.u1 $0x0;
	s7 =	sor.u32 $0x1, s5  }
.LBB1_4:
0xd: {  	s19 =	sshrl.u32 s12, $0x3  }
0xe: {  	s20 =	sshll.u32 s13, $0x3;
	s24 =	sshll.u32 s12, $0x7;
	s19 =	smul.u32 $0x48000, s19  }
0xf: {  	v5 =	vld [tilespmem:s17+$0xFFFFFFD0];
	[tilespmem:s16+$0x2040 ss:$0x81] =	vst.msk $0xffff, v4;
	s25 =	sand.u32 $0x7F, s13;
	s20 =	sand.u32 $0xFFFFFC00, s20;
	s12 =	sand.u32 $0x380, s24  }
0x10: {  	v58 =	vld [tilespmem:s17+$0xFFFFFFE0];
	[tilespmem:s16+$0x2850 ss:$0x81] =	vst.msk $0xffff, v2;
	s12 =	sor.u32 s25, s12;
	s19 =	sadd.s32 s20, s19  }
0x11: {  	s26 =	sshra.s32 s18, $0x2;
	v59 =	vld [tilespmem:s17+$0xFFFFFFF0];
	[tilespmem:s16+$0x3060 ss:$0x81] =	vst.msk $0xffff, v3;
	s12 =	sor.u32 s19, s12  }
0x12: {  	v60 =	vld [tilespmem:s17+$0x0];
	[tilespmem:s16+$0x0 ss:$0x81] =	vst.msk $0xffff, v0;
	s13 =	sadd.s32 s26, s15;
	s27 =	smulhi.u32 $0x38E38E39, s12  }
0x13: {  	v61 =	vld [tilespmem:s17+$0x10];
	[tilespmem:s13+$0x3870 ss:$0x81] =	vst.msk $0xffff, v1  }
0x14: {  	v62 =	vld [tilespmem:s17+$0x20];
	s28 =	smulhi.u32 $0x38E38E39, s19;
	[tilespmem:s13+$0x810 ss:$0x81] =	vst.msk $0xffff, v5;
	s15 =	sshrl.u32 s27, $0xD  }
0x15: {  	v63 =	vld [tilespmem:s17+$0xFFFFFFC0];
	[tilespmem:s13+$0x1020 ss:$0x81] =	vst.msk $0xffff, v58;
	s15 =	smul.u32 $0x9000, s15  }
0x16: {  	[tilespmem:s13+$0x1830 ss:$0x81] =	vst.msk $0xffff, v59;
	s16 =	sshrl.u32 s28, $0xD  }
0x17: {  	[tilespmem:s13+$0x2040 ss:$0x81] =	vst.msk $0xffff, v60;
	s29 =	sand.u32 $0x1FF, s16;
	s12 =	ssub.s32 s12, s15  }
0x18: {  	[tilespmem:s13+$0x2850 ss:$0x81] =	vst.msk $0xffff, v61;
	s15 =	smul.u32 $0x1200, s29;
	s30 =	sshrl.u32 s12, $0x3;
	s12 =	sand.u32 $0x7, s12  }
0x19: {  	[tilespmem:s13+$0x3060 ss:$0x81] =	vst.msk $0xffff, v62;
	s16 =	sadd.s32 s6, s30;
	s12 =	sshll.u32 s12, $0x12  }
0x1a: {  	[tilespmem:s13+$0x0 ss:$0x81] =	vst.msk $0xffff, v63;
	s31 =	sadd.s32 s15, s16;
	s12 =	sor.u32 $0x400, s12  }
0x1b: {  	[hbm4b:s31+s12] =	stream.strided.scatter [tilespmem:s14], [sflag:$0x2], $0x4000, s8, s12, $0x20;
	[tilespmem:$0x10100] =	vst v63  }
.LBB1_5:
0x1c: {  	s14 =	sadd.s32 $0x80, s9  }
0x1d: {  	s12 =	sadd.s32 $0x1000, s10;
	s16 =	smov.u32 s10;
	p2 =	sgt.s32 s14, $0x1FF  }
0x1e: {  	s16 =	smov.u32 @p2 s12  }
0x1f: {  	s14 =	simm.s32 @p2 $0x0;
	p2 =	sgt.s32 s16, $0x8FFF  }
0x20: {  	s16 =	smov.u32 @p2 s2;
	p2 =	sne.s32 s11, s7  }
.Ltmp1:
0x21: {  	p1 =	slt.u32 s11, $0x2;
	(pc) =	sbr.rel @!p2 .LBB1_6-.Ltmp1, $4  }
0x22: {  	s15 =	simm.s32 @!p1 $0x2  }
0x23: {  	s13 =	smov.u32 s10;
	p0 =	por !p0, !p0;
	_ =	swait.ge @!p1 [sflag:s15], $0x4000  }
0x24: {  	s12 =	smov.u32 s9;
	[sflag:s15] =	ssyncset.done @!p1 $0x0;
	s9 =	smov.u32 s14  }
0x25: {  	s11 =	sadd.s32 $0x1, s11;
	[sflag:s15] =	ssyncadd.s32 @!p1 $0xFFFFC000;
	s10 =	smov.u32 s16  }
.LBB1_1:
0x26: {  	p1 =	sge.u32 s11, s5  }
0x27: {  	s14 =	sshll.u32 @!p1 s10, $0x9;
	s15 =	sshll.u32 @!p1 s9, $0x3  }
0x28: {  	s16 =	sshll.u32 @!p1 s10, $0x7;
	s14 =	sand.u32 @!p1 $0xFFFFF000, s14;
	s15 =	sand.u32 @!p1 $0xFFFFFC00, s15  }
0x29: {  	s14 =	sadd.s32 @!p1 s14, s15;
	s15 =	sand.u32 @!p1 $0x200, s16  }
0x2a: {  	s14 =	sor.u32 @!p1 s15, s14  }
0x2b: {  	s14 =	sshrl.u32 @!p1 s14, $0x9  }
0x2c: {  	s15 =	smulhi.u32 @!p1 $0x71C71D, s14;
	_ =	sdelay $0x1  }
0x2d: {  	s17 =	sxor.u32 @!p1 $0xFFFFFFFF, s11;
	s18 =	sand.u32 @!p1 $0x78, s9;
	s15 =	sshrl.u32 @!p1 s15, $0x6  }
0x2e: {  	s17 =	sshll.u32 @!p1 s17, $0xE;
	s16 =	sand.u32 @!p1 $0x180, s16;
	s15 =	smul.u32 @!p1 $0x9000, s15  }
0x2f: {  	s31 =	sadd.s32 $0xFFFFFFFF, s11;
	s17 =	sand.u32 @!p1 $0x4000, s17;
	s16 =	sor.u32 @!p1 s18, s16  }
0x30: {  	s14 =	ssub.s32 @!p1 s14, s15;
	s15 =	sshrl.u32 @!p1 s16, $0x3;
	s16 =	sand.u32 @!p1 $0x7, s9  }
0x31: {  	s14 =	sshll.u32 @!p1 s14, $0x6;
	s15 =	sadd.s32 @!p1 s3, s15;
	s16 =	sshll.u32 @!p1 s16, $0x12  }
0x32: {  	s14 =	sadd.s32 @!p1 s14, s15;
	s15 =	sor.u32 @!p1 $0x400, s16;
	s16 =	simm.s32 @!p1 $0x1000  }
0x33: {  	[tilespmem:s17], [sflag:$0x1] =	stream.strided.gather @!p1 [hbm4b:s14+s15], $0x4000, s16, s15, $0x38;
	[tilespmem:$0x10100] =	vst v63  }
0x34: {  	p1 =	sge.u32 s31, s5  }
.Ltmp2:
0x35: {  	_ = 	snop;
	(pc) =	sbr.rel @p1 .LBB1_5-.Ltmp2, $1  }
0x36: {  	_ =	sdelay $0x3  }
0x37: {  	s14 =	simm.s32 $0x1  }
0x38: {  	_ =	swait.ge [sflag:s4], $0x4000;
	s14 =	simm.s32 @!p0 $0x0  }
0x39: {  	[sflag:s4] =	ssyncset.done $0x0;
	s15 =	sshll.u32 s14, $0xE  }
0x3a: {  	[sflag:s4] =	ssyncadd.s32 $0xFFFFC000;
	s17 =	sor.u32 $0x40, s15  }
0x3b: {  	s14 =	smul.u32 $0x10200, s14;
	v0 =	vld [tilespmem:s17+$0x30]  }
0x3c: {  	v1 =	vld [tilespmem:s17+$0xFFFFFFD0]  }
0x3d: {  	s14 =	sshrl.u32 s14, $0x2;
	v5 =	vld [tilespmem:s17+$0xFFFFFFE0]  }
0x3e: {  	v6 =	vld [tilespmem:s17+$0xFFFFFFF0];
	s15 =	sor.u32 $0x8000, s14  }
0x3f: {  	s31 =	sand.u32 $0x1, s11;
	v4 =	vld [tilespmem:s17+$0x0];
	s16 =	sadd.s32 $0x0, s15  }
0x40: {  	v2 =	vld [tilespmem:s17+$0x10];
	s14 =	smul.u32 $0x10200, s31;
	[tilespmem:s16+$0x3870 ss:$0x81] =	vst.msk $0xffff, v0  }
0x41: {  	v3 =	vld [tilespmem:s17+$0x20];
	[tilespmem:s16+$0x810 ss:$0x81] =	vst.msk $0xffff, v1  }
0x42: {  	s14 =	sshrl.u32 s14, $0x2;
	v0 =	vld [tilespmem:s17+$0xFFFFFFC0];
	[tilespmem:s16+$0x1020 ss:$0x81] =	vst.msk $0xffff, v5;
	s17 =	sadd.s32 $0x80, s17  }
0x43: {  	s18 =	simm.s32 $0x4;
	s19 =	simm.s32 $0x8;
	s14 =	sor.u32 $0x8000, s14;
	[tilespmem:s16+$0x1830 ss:$0x81] =	vst.msk $0xffff, v6;
	v1 =	vld [tilespmem:s17+$0x30]  }
.LBB1_3:
0x44: {  	p1 =	sne.s32 s19, $0x1FC;
	v5 =	vld [tilespmem:s17+$0xFFFFFFD0];
	[tilespmem:s16+$0x2040 ss:$0x81] =	vst.msk $0xffff, v4  }
0x45: {  	v6 =	vld [tilespmem:s17+$0xFFFFFFE0];
	[tilespmem:s16+$0x2850 ss:$0x81] =	vst.msk $0xffff, v2  }
0x46: {  	s20 =	sshra.s32 s18, $0x2;
	s18 =	smov.u32 s19;
	v7 =	vld [tilespmem:s17+$0xFFFFFFF0];
	[tilespmem:s16+$0x3060 ss:$0x81] =	vst.msk $0xffff, v3  }
.Ltmp3:
0x47: {  	v4 =	vld [tilespmem:s17+$0x0];
	[tilespmem:s16+$0x0 ss:$0x81] =	vst.msk $0xffff, v0;
	s16 =	sadd.s32 s20, s15;
	(pc) =	sbr.rel @p1 .LBB1_3-.Ltmp3, $4  }
0x48: {  	v2 =	vld [tilespmem:s17+$0x10];
	[tilespmem:s16+$0x3870 ss:$0x81] =	vst.msk $0xffff, v1  }
0x49: {  	[tilespmem:s16+$0x810 ss:$0x81] =	vst.msk $0xffff, v5;
	v3 =	vld [tilespmem:s17+$0x20]  }
0x4a: {  	v0 =	vld [tilespmem:s17+$0xFFFFFFC0];
	[tilespmem:s16+$0x1020 ss:$0x81] =	vst.msk $0xffff, v6;
	s17 =	sadd.s32 $0x80, s17  }
0x4b: {  	s19 =	sadd.s32 $0x4, s19;
	v1 =	vld [tilespmem:s17+$0x30];
	[tilespmem:s16+$0x1830 ss:$0x81] =	vst.msk $0xffff, v7  }
.Ltmp4:
0x4c: {  	_ = 	snop;
	(pc) =	sbr.rel .LBB1_4-.Ltmp4, $1  }
0x4d: {  	_ =	sdelay $0x3  }
.LBB1_6:
0x4e: {  	_ =	sfence.sel $0x180000  }
0x4f: {  	s2 =	simm.s32 $0x1;
	[bflag:$0x0] =	sbarrier.arrive $0xFFFF  }
0x50: {  	s31 =	simm.s32 $0x2;
	[sflag:s2] =	ssyncpa.u1 $0x1  }
0x51: {  	[sflag:s31] =	ssyncpa.u1 $0x1  }
0x52: {  	p0 =	sne.s32 s0, $0x0;
	_ =	strace $0x9000004D  }
0x53: {  	s0 =	sadd.s32 @!p0 $0x100000, s1;
	[bflag:$0x2] =	sbarrier.arrive $0xFFFF  }
0x54: {  	[sflag:s0] =	ssyncadd.tile.s32 @!p0 $0x1;
	_ =	shalt  }
.Lfunc_end1:
_tile_overlayer_lowered:
.L_overlay_start_2:
0x55: {  	(tag) =	ssettag $0x2  }
0x56: {  	s0 =	rddreg [dreg:$0x0];
	s2 =	stileid.u32  }
0x57: {  	s1 =	rddreg [dreg:$0x1];
	p0 =	sne.s32 s2, $0x0  }
0x58: {  	s3 =	rddreg [dreg:$0x2];
	[bflag:$0x3] =	sbarrier.arrive $0xFFFF;
	s2 =	simm.s32 @!p0 $0x1C01  }
0x59: {  	[timem:s3], [sflag:s2] =	dma.local @!p0 [hbm:s0], s1  }
0x5a: {  	s0 =	simm.s32 @!p0 $0x1  }
0x5b: {  	_ =	swait.ge @!p0 [sflag:s0], s1  }
0x5c: {  	s1 =	ssub.s32 @!p0 $0x0, s1;
	[sflag:s0] =	ssyncset.done @!p0 $0x0  }
0x5d: {  	[sflag:s0] =	ssyncadd.s32 @!p0 s1  }
0x5e: {  	[bflag:$0x3] =	sbarrier.arrive $0xFFFF  }
0x5f: {  	_ =	shalt  }

// kernel: sparse-core-data-format-call.2.cloned.1.call-start
scs
called_computation.2_lowered:
.L_overlay_start_0:
0x0: {  	s1 =	sld [smem:$0x3FD9]  }
0x1: {  	s2 =	sld [smem:$0x3FFE];
	_ =	sdelay $0x1  }
0x2: {  	s3 =	srdreg.scid  }
0x3: {  	s0 =	sand.u32 $0x1, s3  }
0x4: {  	s17 =	sshll.u32 s0, $0xA;
	s1 =	sadd.s32 s2, s1  }
0x5: {  	s1 =	sadd.s32 s1, s17  }
0x6: {  	[smem:$0x3FC0] =	sst s1  }
0x7: {  	_ = 	snop  }
0x8: {  	(tm) =	ssettm $0x1  }
0x9: {  	s18 =	sld [smem:$0x3FFB];
	_ =	sdelay $0x3  }
0xa: {  	_ =	strace s18  }
0xb: {  	s1 =	sld [smem:$0x3FFC];
	_ =	sdelay $0x3  }
0xc: {  	_ =	strace s1  }
0xd: {  	s1 =	sld [smem:$0x3FFD];
	_ =	sdelay $0x3  }
0xe: {  	_ =	strace s1  }
0xf: {  	_ =	strace $0x8FFFFFFF  }
0x10: {  	s19 =	sld [smem:$0x3FDB];
	_ =	sdelay $0x1  }
0x11: {  	s20 =	simm.s32 $_scs_section_size  }
0x12: {  	s4 =	simm.s32 $_size__tile_overlayer_lowered;
	s5 =	simm.s32 $_tile_overlayer_lowered  }
0x13: {  	s23 =	simm.s32 $0x1BFF;
	s22 =	sshll.u32 s5, $0x1;
	s1 =	sadd.s32 s20, s19  }
0x14: {  	s6 =	simm.s32 $0x0;
	s21 =	sshll.u32 s4, $0x1;
	s4 =	sadd.s32 s22, s1  }
0x15: {  	[timem:s6], [sflag:s23] =	dma.local [hbm:s4], s21  }
0x16: {  	_ =	swait.ge [sflag:s23], s21  }
0x17: {  	s2 =	ssub.s32 $0x0, s21;
	[sflag:s23] =	ssyncset.done $0x0  }
0x18: {  	[sflag:s23] =	ssyncadd.s32 s2;
	_ =	sdelay $0x1  }
0x19: {  	s24 =	simm.s32 $0x1B8B  }
0x1a: {  	_ =	swait.ge [sflag:s24], $0x1  }
0x1b: {  	[sflag:s24] =	ssyncset.done $0x0  }
0x1c: {  	s26 =	simm.s32 $0x1B8E;
	s25 =	sld [smem:$0x3FFE];
	[sflag:s24] =	ssyncadd.s32 $0xFFFFFFFF  }
0x1d: {  	s27 =	simm.s32 $execute0_lowered;
	[smem:$0x3FD2] =	sst s26  }
0x1e: {  	s4 =	sshll.u32 s27, $0x1;
	_ =	strace $0x80000049;
	[dreg:$0x1] =	wrdreg $0xFFFFFFFF  }
0x1f: {  	s28 =	simm.s32 $_size_execute0_lowered;
	s1 =	sadd.s32 s1, s4;
	[dreg:$0x0] =	wrdreg $0x0  }
0x20: {  	s4 =	sshll.u32 s28, $0x1;
	[dreg:$0x2] =	wrdreg s1  }
0x21: {  	[dreg:$0x3] =	wrdreg s4  }
0x22: {  	[dreg:$0x4] =	wrdreg $0xC0  }
0x23: {  	_ =	task [dreg:s6], $0x5FFFF  }
0x24: {  	[dreg:$0x1] =	wrdreg $0xFFFFFFFF  }
0x25: {  	[dreg:$0x0] =	wrdreg $0x60  }
0x26: {  	[dreg:$0x2] =	wrdreg s25  }
0x27: {  	[dreg:$0x3] =	wrdreg $0xA  }
0x28: {  	_ =	task.clear_ibuf [dreg:s6], $0x4FFFF;
	_ =	strace $0x90000049  }
0x29: {  	s29 =	simm.s32 $0xA;
	_ =	strace $0x8000004B  }
0x2a: {  	_ =	swait.ge [sflag:s29], $0x1  }
0x2b: {  	[sflag:s29] =	ssyncadd.s32 $0xFFFFFFFF  }
0x2c: {  	_ =	strace $0x9000004B  }
0x2d: {  	_ =	sfence  }
0x2e: {  	s30 =	sld [smem:$0x0];
	_ =	sdelay $0x2  }
0x2f: {  	s31 =	sshll.u32 s3, $0xD;
	s3 =	sshrl.u32 s3, $0x2  }
0x30: {  	s2 =	sand.u32 $0x4000, s31;
	s1 =	sadd.s32 s3, s30  }
0x31: {  	s0 =	sor.u32 s2, s0;
	s1 =	sshll.u32 s1, $0x11  }
0x32: {  	s0 =	sor.u32 s1, s0  }
0x33: {  	s0 =	sadd.s32 $0x8F2B, s0  }
0x34: {  	[sflag:s0] =	ssyncadd.remote.s32 $0x1  }
0x35: {  	_ =	sfence.sel $0xFFFF  }
0x36: {  	[dreg:$0x0] =	wrdreg $0xFFFFFFFF;
	(pc) =	sbr.abs _section_cstart, $3  }
0x37: {  	[dreg:$0x1] =	wrdreg $0xFFFFFFFF  }
0x38: {  	_ =	task.clear_ibuf [dreg:s6], $0x2FFFF;
	_ =	strace $0x9FFFFFFF  }
0x39: {  	(tm) =	ssettm $0x7FFFFFFF  }
tec
execute0_lowered:
.L_overlay_start_1:
0x0: {  	(tag) =	ssettag $0x1  }
0x1: {  	s0 =	srdreg.scid  }
0x2: {  	s1 =	sshll.u32 s0, $0x4  }
0x3: {  	s6 =	rddreg [dreg:$0x0];
	s0 =	stileid.u32;
	s1 =	sand.u32 $0x10, s1  }
0x4: {  	s5 =	simm.s32 $0x1;
	s31 =	simm.s32 $0x2;
	s1 =	sor.u32 s0, s1  }
0x5: {  	s12 =	simm.s32 $0x0;
	s8 =	simm.s32 $0x48000;
	s2 =	sshll.u32 s1, $0x7  }
0x6: {  	s13 =	simm.s32 $0x0;
	s9 =	simm.s32 $0x0;
	s3 =	ssub.s32 $0x9000, s2  }
0x7: {  	s11 =	simm.s32 $0x0;
	s1 =	rddreg [dreg:$0x1];
	s4 =	sand.u32 $0xF80, s3  }
.Ltmp0:
0x8: {  	_ =	strace $0x8000004A;
	p0 =	sne.s32 s4, $0x0;
	(pc) =	sbr.rel .LBB1_1-.Ltmp0, $4  }
0x9: {  	s10 =	smov.u32 s2;
	s7 =	sshrl.u32 s3, $0xC;
	s5 =	simm.s32 @!p0 $0x0  }
0xa: {  	s3 =	sadd.s32 $0x483600, s6;
	s4 =	simm.s32 $0x1;
	s5 =	sadd.s32 s5, s7  }
0xb: {  	s6 =	sadd.s32 $0x3600, s6;
	[sflag:s4] =	ssyncpa.u1 $0x0;
	s5 =	sshll.u32 s5, $0x2  }
0xc: {  	p0 =	por $0x0, $0x0;
	[sflag:s31] =	ssyncpa.u1 $0x0;
	s7 =	sor.u32 $0x1, s5  }
.LBB1_4:
0xd: {  	s19 =	sshrl.u32 s12, $0x3  }
0xe: {  	s20 =	sshll.u32 s13, $0x3;
	s24 =	sshll.u32 s12, $0x7;
	s19 =	smul.u32 $0x48000, s19  }
0xf: {  	v5 =	vld [tilespmem:s17+$0xFFFFFFD0];
	[tilespmem:s16+$0x2040 ss:$0x81] =	vst.msk $0xffff, v4;
	s25 =	sand.u32 $0x7F, s13;
	s20 =	sand.u32 $0xFFFFFC00, s20;
	s12 =	sand.u32 $0x380, s24  }
0x10: {  	v58 =	vld [tilespmem:s17+$0xFFFFFFE0];
	[tilespmem:s16+$0x2850 ss:$0x81] =	vst.msk $0xffff, v2;
	s12 =	sor.u32 s25, s12;
	s19 =	sadd.s32 s20, s19  }
0x11: {  	s26 =	sshra.s32 s18, $0x2;
	v59 =	vld [tilespmem:s17+$0xFFFFFFF0];
	[tilespmem:s16+$0x3060 ss:$0x81] =	vst.msk $0xffff, v3;
	s12 =	sor.u32 s19, s12  }
0x12: {  	v60 =	vld [tilespmem:s17+$0x0];
	[tilespmem:s16+$0x0 ss:$0x81] =	vst.msk $0xffff, v0;
	s13 =	sadd.s32 s26, s15;
	s27 =	smulhi.u32 $0x38E38E39, s12  }
0x13: {  	v61 =	vld [tilespmem:s17+$0x10];
	[tilespmem:s13+$0x3870 ss:$0x81] =	vst.msk $0xffff, v1  }
0x14: {  	v62 =	vld [tilespmem:s17+$0x20];
	s28 =	smulhi.u32 $0x38E38E39, s19;
	[tilespmem:s13+$0x810 ss:$0x81] =	vst.msk $0xffff, v5;
	s15 =	sshrl.u32 s27, $0xD  }
0x15: {  	v63 =	vld [tilespmem:s17+$0xFFFFFFC0];
	[tilespmem:s13+$0x1020 ss:$0x81] =	vst.msk $0xffff, v58;
	s15 =	smul.u32 $0x9000, s15  }
0x16: {  	[tilespmem:s13+$0x1830 ss:$0x81] =	vst.msk $0xffff, v59;
	s16 =	sshrl.u32 s28, $0xD  }
0x17: {  	[tilespmem:s13+$0x2040 ss:$0x81] =	vst.msk $0xffff, v60;
	s29 =	sand.u32 $0x1FF, s16;
	s12 =	ssub.s32 s12, s15  }
0x18: {  	[tilespmem:s13+$0x2850 ss:$0x81] =	vst.msk $0xffff, v61;
	s15 =	smul.u32 $0x1200, s29;
	s30 =	sshrl.u32 s12, $0x3;
	s12 =	sand.u32 $0x7, s12  }
0x19: {  	[tilespmem:s13+$0x3060 ss:$0x81] =	vst.msk $0xffff, v62;
	s16 =	sadd.s32 s6, s30;
	s12 =	sshll.u32 s12, $0x12  }
0x1a: {  	[tilespmem:s13+$0x0 ss:$0x81] =	vst.msk $0xffff, v63;
	s31 =	sadd.s32 s15, s16;
	s12 =	sor.u32 $0x400, s12  }
0x1b: {  	[hbm4b:s31+s12] =	stream.strided.scatter [tilespmem:s14], [sflag:$0x2], $0x4000, s8, s12, $0x20;
	[tilespmem:$0x10100] =	vst v63  }
.LBB1_5:
0x1c: {  	s14 =	sadd.s32 $0x80, s9  }
0x1d: {  	s12 =	sadd.s32 $0x1000, s10;
	s16 =	smov.u32 s10;
	p2 =	sgt.s32 s14, $0x1FF  }
0x1e: {  	s16 =	smov.u32 @p2 s12  }
0x1f: {  	s14 =	simm.s32 @p2 $0x0;
	p2 =	sgt.s32 s16, $0x8FFF  }
0x20: {  	s16 =	smov.u32 @p2 s2;
	p2 =	sne.s32 s11, s7  }
.Ltmp1:
0x21: {  	p1 =	slt.u32 s11, $0x2;
	(pc) =	sbr.rel @!p2 .LBB1_6-.Ltmp1, $4  }
0x22: {  	s15 =	simm.s32 @!p1 $0x2  }
0x23: {  	s13 =	smov.u32 s10;
	p0 =	por !p0, !p0;
	_ =	swait.ge @!p1 [sflag:s15], $0x4000  }
0x24: {  	s12 =	smov.u32 s9;
	[sflag:s15] =	ssyncset.done @!p1 $0x0;
	s9 =	smov.u32 s14  }
0x25: {  	s11 =	sadd.s32 $0x1, s11;
	[sflag:s15] =	ssyncadd.s32 @!p1 $0xFFFFC000;
	s10 =	smov.u32 s16  }
.LBB1_1:
0x26: {  	p1 =	sge.u32 s11, s5  }
0x27: {  	s14 =	sshll.u32 @!p1 s10, $0x9;
	s15 =	sshll.u32 @!p1 s9, $0x3  }
0x28: {  	s16 =	sshll.u32 @!p1 s10, $0x7;
	s14 =	sand.u32 @!p1 $0xFFFFF000, s14;
	s15 =	sand.u32 @!p1 $0xFFFFFC00, s15  }
0x29: {  	s14 =	sadd.s32 @!p1 s14, s15;
	s15 =	sand.u32 @!p1 $0x200, s16  }
0x2a: {  	s14 =	sor.u32 @!p1 s15, s14  }
0x2b: {  	s14 =	sshrl.u32 @!p1 s14, $0x9  }
0x2c: {  	s15 =	smulhi.u32 @!p1 $0x71C71D, s14;
	_ =	sdelay $0x1  }
0x2d: {  	s17 =	sxor.u32 @!p1 $0xFFFFFFFF, s11;
	s18 =	sand.u32 @!p1 $0x78, s9;
	s15 =	sshrl.u32 @!p1 s15, $0x6  }
0x2e: {  	s17 =	sshll.u32 @!p1 s17, $0xE;
	s16 =	sand.u32 @!p1 $0x180, s16;
	s15 =	smul.u32 @!p1 $0x9000, s15  }
0x2f: {  	s31 =	sadd.s32 $0xFFFFFFFF, s11;
	s17 =	sand.u32 @!p1 $0x4000, s17;
	s16 =	sor.u32 @!p1 s18, s16  }
0x30: {  	s14 =	ssub.s32 @!p1 s14, s15;
	s15 =	sshrl.u32 @!p1 s16, $0x3;
	s16 =	sand.u32 @!p1 $0x7, s9  }
0x31: {  	s14 =	sshll.u32 @!p1 s14, $0x6;
	s15 =	sadd.s32 @!p1 s3, s15;
	s16 =	sshll.u32 @!p1 s16, $0x12  }
0x32: {  	s14 =	sadd.s32 @!p1 s14, s15;
	s15 =	sor.u32 @!p1 $0x400, s16;
	s16 =	simm.s32 @!p1 $0x1000  }
0x33: {  	[tilespmem:s17], [sflag:$0x1] =	stream.strided.gather @!p1 [hbm4b:s14+s15], $0x4000, s16, s15, $0x38;
	[tilespmem:$0x10100] =	vst v63  }
0x34: {  	p1 =	sge.u32 s31, s5  }
.Ltmp2:
0x35: {  	_ = 	snop;
	(pc) =	sbr.rel @p1 .LBB1_5-.Ltmp2, $1  }
0x36: {  	_ =	sdelay $0x3  }
0x37: {  	s14 =	simm.s32 $0x1  }
0x38: {  	_ =	swait.ge [sflag:s4], $0x4000;
	s14 =	simm.s32 @!p0 $0x0  }
0x39: {  	[sflag:s4] =	ssyncset.done $0x0;
	s15 =	sshll.u32 s14, $0xE  }
0x3a: {  	[sflag:s4] =	ssyncadd.s32 $0xFFFFC000;
	s17 =	sor.u32 $0x40, s15  }
0x3b: {  	s14 =	smul.u32 $0x10200, s14;
	v0 =	vld [tilespmem:s17+$0x30]  }
0x3c: {  	v1 =	vld [tilespmem:s17+$0xFFFFFFD0]  }
0x3d: {  	s14 =	sshrl.u32 s14, $0x2;
	v5 =	vld [tilespmem:s17+$0xFFFFFFE0]  }
0x3e: {  	v6 =	vld [tilespmem:s17+$0xFFFFFFF0];
	s15 =	sor.u32 $0x8000, s14  }
0x3f: {  	s31 =	sand.u32 $0x1, s11;
	v4 =	vld [tilespmem:s17+$0x0];
	s16 =	sadd.s32 $0x0, s15  }
0x40: {  	v2 =	vld [tilespmem:s17+$0x10];
	s14 =	smul.u32 $0x10200, s31;
	[tilespmem:s16+$0x3870 ss:$0x81] =	vst.msk $0xffff, v0  }
0x41: {  	v3 =	vld [tilespmem:s17+$0x20];
	[tilespmem:s16+$0x810 ss:$0x81] =	vst.msk $0xffff, v1  }
0x42: {  	s14 =	sshrl.u32 s14, $0x2;
	v0 =	vld [tilespmem:s17+$0xFFFFFFC0];
	[tilespmem:s16+$0x1020 ss:$0x81] =	vst.msk $0xffff, v5;
	s17 =	sadd.s32 $0x80, s17  }
0x43: {  	s18 =	simm.s32 $0x4;
	s19 =	simm.s32 $0x8;
	s14 =	sor.u32 $0x8000, s14;
	[tilespmem:s16+$0x1830 ss:$0x81] =	vst.msk $0xffff, v6;
	v1 =	vld [tilespmem:s17+$0x30]  }
.LBB1_3:
0x44: {  	p1 =	sne.s32 s19, $0x1FC;
	v5 =	vld [tilespmem:s17+$0xFFFFFFD0];
	[tilespmem:s16+$0x2040 ss:$0x81] =	vst.msk $0xffff, v4  }
0x45: {  	v6 =	vld [tilespmem:s17+$0xFFFFFFE0];
	[tilespmem:s16+$0x2850 ss:$0x81] =	vst.msk $0xffff, v2  }
0x46: {  	s20 =	sshra.s32 s18, $0x2;
	s18 =	smov.u32 s19;
	v7 =	vld [tilespmem:s17+$0xFFFFFFF0];
	[tilespmem:s16+$0x3060 ss:$0x81] =	vst.msk $0xffff, v3  }
.Ltmp3:
0x47: {  	v4 =	vld [tilespmem:s17+$0x0];
	[tilespmem:s16+$0x0 ss:$0x81] =	vst.msk $0xffff, v0;
	s16 =	sadd.s32 s20, s15;
	(pc) =	sbr.rel @p1 .LBB1_3-.Ltmp3, $4  }
0x48: {  	v2 =	vld [tilespmem:s17+$0x10];
	[tilespmem:s16+$0x3870 ss:$0x81] =	vst.msk $0xffff, v1  }
0x49: {  	[tilespmem:s16+$0x810 ss:$0x81] =	vst.msk $0xffff, v5;
	v3 =	vld [tilespmem:s17+$0x20]  }
0x4a: {  	v0 =	vld [tilespmem:s17+$0xFFFFFFC0];
	[tilespmem:s16+$0x1020 ss:$0x81] =	vst.msk $0xffff, v6;
	s17 =	sadd.s32 $0x80, s17  }
0x4b: {  	s19 =	sadd.s32 $0x4, s19;
	v1 =	vld [tilespmem:s17+$0x30];
	[tilespmem:s16+$0x1830 ss:$0x81] =	vst.msk $0xffff, v7  }
.Ltmp4:
0x4c: {  	_ = 	snop;
	(pc) =	sbr.rel .LBB1_4-.Ltmp4, $1  }
0x4d: {  	_ =	sdelay $0x3  }
.LBB1_6:
0x4e: {  	_ =	sfence.sel $0x180000  }
0x4f: {  	s2 =	simm.s32 $0x1;
	[bflag:$0x0] =	sbarrier.arrive $0xFFFF  }
0x50: {  	s31 =	simm.s32 $0x2;
	[sflag:s2] =	ssyncpa.u1 $0x1  }
0x51: {  	[sflag:s31] =	ssyncpa.u1 $0x1  }
0x52: {  	p0 =	sne.s32 s0, $0x0;
	_ =	strace $0x9000004A  }
0x53: {  	s0 =	sadd.s32 @!p0 $0x100000, s1;
	[bflag:$0x2] =	sbarrier.arrive $0xFFFF  }
0x54: {  	[sflag:s0] =	ssyncadd.tile.s32 @!p0 $0x1;
	_ =	shalt  }
.Lfunc_end1:
_tile_overlayer_lowered:
.L_overlay_start_2:
0x55: {  	(tag) =	ssettag $0x2  }
0x56: {  	s0 =	rddreg [dreg:$0x0];
	s2 =	stileid.u32  }
0x57: {  	s1 =	rddreg [dreg:$0x1];
	p0 =	sne.s32 s2, $0x0  }
0x58: {  	s3 =	rddreg [dreg:$0x2];
	[bflag:$0x3] =	sbarrier.arrive $0xFFFF;
	s2 =	simm.s32 @!p0 $0x1C01  }
0x59: {  	[timem:s3], [sflag:s2] =	dma.local @!p0 [hbm:s0], s1  }
0x5a: {  	s0 =	simm.s32 @!p0 $0x1  }
0x5b: {  	_ =	swait.ge @!p0 [sflag:s0], s1  }
0x5c: {  	s1 =	ssub.s32 @!p0 $0x0, s1;
	[sflag:s0] =	ssyncset.done @!p0 $0x0  }
0x5d: {  	[sflag:s0] =	ssyncadd.s32 @!p0 s1  }
0x5e: {  	[bflag:$0x3] =	sbarrier.arrive $0xFFFF  }
0x5f: {  	_ =	shalt  }

// kernel: sparse-core-data-format-call.3.cloned.1.call-start
scs
called_computation.3_lowered:
.L_overlay_start_0:
0x0: {  	s1 =	sld [smem:$0x3FD9]  }
0x1: {  	s2 =	sld [smem:$0x3FFE];
	_ =	sdelay $0x1  }
0x2: {  	s3 =	srdreg.scid  }
0x3: {  	s0 =	sand.u32 $0x1, s3  }
0x4: {  	s17 =	sshll.u32 s0, $0xA;
	s1 =	sadd.s32 s2, s1  }
0x5: {  	s1 =	sadd.s32 s1, s17  }
0x6: {  	[smem:$0x3FC0] =	sst s1  }
0x7: {  	_ = 	snop  }
0x8: {  	(tm) =	ssettm $0x1  }
0x9: {  	s18 =	sld [smem:$0x3FFB];
	_ =	sdelay $0x3  }
0xa: {  	_ =	strace s18  }
0xb: {  	s1 =	sld [smem:$0x3FFC];
	_ =	sdelay $0x3  }
0xc: {  	_ =	strace s1  }
0xd: {  	s1 =	sld [smem:$0x3FFD];
	_ =	sdelay $0x3  }
0xe: {  	_ =	strace s1  }
0xf: {  	_ =	strace $0x8FFFFFFF  }
0x10: {  	s19 =	sld [smem:$0x3FDB];
	_ =	sdelay $0x1  }
0x11: {  	s20 =	simm.s32 $_scs_section_size  }
0x12: {  	s4 =	simm.s32 $_size__tile_overlayer_lowered;
	s5 =	simm.s32 $_tile_overlayer_lowered  }
0x13: {  	s23 =	simm.s32 $0x1BFF;
	s22 =	sshll.u32 s5, $0x1;
	s1 =	sadd.s32 s20, s19  }
0x14: {  	s6 =	simm.s32 $0x0;
	s21 =	sshll.u32 s4, $0x1;
	s4 =	sadd.s32 s22, s1  }
0x15: {  	[timem:s6], [sflag:s23] =	dma.local [hbm:s4], s21  }
0x16: {  	_ =	swait.ge [sflag:s23], s21  }
0x17: {  	s2 =	ssub.s32 $0x0, s21;
	[sflag:s23] =	ssyncset.done $0x0  }
0x18: {  	[sflag:s23] =	ssyncadd.s32 s2;
	_ =	sdelay $0x1  }
0x19: {  	s24 =	simm.s32 $0x1B8B  }
0x1a: {  	_ =	swait.ge [sflag:s24], $0x1  }
0x1b: {  	[sflag:s24] =	ssyncset.done $0x0  }
0x1c: {  	s26 =	simm.s32 $0x1B8E;
	s25 =	sld [smem:$0x3FFE];
	[sflag:s24] =	ssyncadd.s32 $0xFFFFFFFF  }
0x1d: {  	s27 =	simm.s32 $execute0_lowered;
	[smem:$0x3FD2] =	sst s26  }
0x1e: {  	s4 =	sshll.u32 s27, $0x1;
	_ =	strace $0x80000046;
	[dreg:$0x1] =	wrdreg $0xFFFFFFFF  }
0x1f: {  	s28 =	simm.s32 $_size_execute0_lowered;
	s1 =	sadd.s32 s1, s4;
	[dreg:$0x0] =	wrdreg $0x0  }
0x20: {  	s4 =	sshll.u32 s28, $0x1;
	[dreg:$0x2] =	wrdreg s1  }
0x21: {  	[dreg:$0x3] =	wrdreg s4  }
0x22: {  	[dreg:$0x4] =	wrdreg $0xC0  }
0x23: {  	_ =	task [dreg:s6], $0x5FFFF  }
0x24: {  	[dreg:$0x1] =	wrdreg $0xFFFFFFFF  }
0x25: {  	[dreg:$0x0] =	wrdreg $0x60  }
0x26: {  	[dreg:$0x2] =	wrdreg s25  }
0x27: {  	[dreg:$0x3] =	wrdreg $0x9  }
0x28: {  	_ =	task.clear_ibuf [dreg:s6], $0x4FFFF;
	_ =	strace $0x90000046  }
0x29: {  	s29 =	simm.s32 $0x9;
	_ =	strace $0x80000048  }
0x2a: {  	_ =	swait.ge [sflag:s29], $0x1  }
0x2b: {  	[sflag:s29] =	ssyncadd.s32 $0xFFFFFFFF  }
0x2c: {  	_ =	strace $0x90000048  }
0x2d: {  	_ =	sfence  }
0x2e: {  	s30 =	sld [smem:$0x0];
	_ =	sdelay $0x2  }
0x2f: {  	s31 =	sshll.u32 s3, $0xD;
	s3 =	sshrl.u32 s3, $0x2  }
0x30: {  	s2 =	sand.u32 $0x4000, s31;
	s1 =	sadd.s32 s3, s30  }
0x31: {  	s0 =	sor.u32 s2, s0;
	s1 =	sshll.u32 s1, $0x11  }
0x32: {  	s0 =	sor.u32 s1, s0  }
0x33: {  	s0 =	sadd.s32 $0x8F2B, s0  }
0x34: {  	[sflag:s0] =	ssyncadd.remote.s32 $0x1  }
0x35: {  	_ =	sfence.sel $0xFFFF  }
0x36: {  	[dreg:$0x0] =	wrdreg $0xFFFFFFFF;
	(pc) =	sbr.abs _section_cstart, $3  }
0x37: {  	[dreg:$0x1] =	wrdreg $0xFFFFFFFF  }
0x38: {  	_ =	task.clear_ibuf [dreg:s6], $0x2FFFF;
	_ =	strace $0x9FFFFFFF  }
0x39: {  	(tm) =	ssettm $0x7FFFFFFF  }
tec
execute0_lowered:
.L_overlay_start_1:
0x0: {  	(tag) =	ssettag $0x1  }
0x1: {  	s0 =	srdreg.scid  }
0x2: {  	s6 =	rddreg [dreg:$0x0];
	s1 =	sshll.u32 s0, $0x4  }
0x3: {  	_ =	strace $0x80000047;
	s0 =	stileid.u32;
	s1 =	sand.u32 $0x10, s1  }
0x4: {  	s4 =	simm.s32 $0x1;
	s31 =	simm.s32 $0x2;
	s1 =	sor.u32 s0, s1  }
0x5: {  	s15 =	simm.s32 $0x0;
	s8 =	simm.s32 $0xC0000;
	s2 =	sshll.u32 s1, $0x3  }
0x6: {  	s9 =	simm.s32 $0x0;
	s16 =	simm.s32 $0x0;
	s1 =	ssub.s32 $0x600, s2  }
0x7: {  	s18 =	simm.s32 $0x0;
	s17 =	simm.s32 $0x0;
	s3 =	sand.u32 $0xF8, s1  }
0x8: {  	s10 =	simm.s32 $0x0;
	p0 =	sne.s32 s3, $0x0;
	s3 =	simm.s32 $0x1  }
.Ltmp0:
0x9: {  	s1 =	sshrl.u32 s1, $0x8;
	s3 =	simm.s32 @!p0 $0x0;
	(pc) =	sbr.rel .LBB1_1-.Ltmp0, $4  }
0xa: {  	s11 =	simm.s32 $0x0;
	s13 =	simm.s32 $0x0;
	s1 =	sadd.s32 s3, s1  }
0xb: {  	s14 =	simm.s32 $0x0;
	[sflag:s4] =	ssyncpa.u1 $0x0;
	s5 =	smul.u32 $0x12, s1  }
0xc: {  	s24 =	simm.s32 $0x0;
	[sflag:s31] =	ssyncpa.u1 $0x0;
	s12 =	smov.u32 s2  }
0xd: {  	s3 =	sadd.s32 $0x3600, s6;
	s6 =	sadd.s32 $0xC1DA00, s6;
	s7 =	sor.u32 $0x1, s5  }
.LBB1_7:
0xe: {  	s1 =	sadd.s32 $0x100, s10  }
0xf: {  	s15 =	sadd.s32 $0x8, s11;
	s19 =	smov.u32 s11;
	p1 =	sgt.s32 s1, $0x1FF  }
0x10: {  	s19 =	smov.u32 @p1 s15  }
0x11: {  	s20 =	smov.u32 s12;
	s15 =	sadd.s32 $0x100, s12;
	p2 =	sgt.s32 s19, $0x7  }
0x12: {  	s20 =	smov.u32 @p2 s15  }
0x13: {  	s15 =	simm.s32 $0x1;
	p3 =	sgt.s32 s20, $0x5FF  }
0x14: {  	s15 =	simm.s32 @!p3 $0x0  }
0x15: {  	p0 =	slt.u32 s14, $0x2;
	s22 =	sadd.s32 s15, s13  }
0x16: {  	s16 =	smov.u32 s11;
	s1 =	simm.s32 @p1 $0x0;
	p1 =	sgt.s32 s22, $0x8  }
0x17: {  	s21 =	simm.s32 @!p0 $0x2;
	s22 =	simm.s32 @p1 $0x0;
	p1 =	sne.s32 s14, s7  }
.Ltmp1:
0x18: {  	s18 =	smov.u32 s12;
	_ =	swait.ge @!p0 [sflag:s21], $0x4000;
	(pc) =	sbr.rel @!p1 .LBB1_8-.Ltmp1, $4  }
0x19: {  	s17 =	smov.u32 s13;
	[sflag:s21] =	ssyncset.done @!p0 $0x0;
	s19 =	simm.s32 @p2 $0x0  }
0x1a: {  	s9 =	sadd.s32 $0x4000, s9;
	[sflag:s21] =	ssyncadd.s32 @!p0 $0xFFFFC000;
	s11 =	smov.u32 s19  }
0x1b: {  	s20 =	smov.u32 @p3 s2;
	s15 =	smov.u32 s10;
	s10 =	smov.u32 s1  }
0x1c: {  	s12 =	smov.u32 s20;
	s14 =	sadd.s32 $0x1, s14;
	s13 =	smov.u32 s22  }
.LBB1_1:
0x1d: {  	p0 =	sge.u32 s14, s5  }
0x1e: {  	s31 =	sadd.s32 $0xFFFFFFFF, s14;
	s1 =	sxor.u32 @!p0 $0xFFFFFFFF, s14;
	s19 =	sand.u32 @!p0 $0x78, s10  }
0x1f: {  	s20 =	sshll.u32 @!p0 s11, $0x7;
	s21 =	sshll.u32 @!p0 s10, $0x3;
	s22 =	smul.u32 @!p0 $0xC0000, s13  }
0x20: {  	s23 =	sshll.u32 @!p0 s12, $0x9;
	s1 =	sshll.u32 @!p0 s1, $0xE;
	s20 =	sand.u32 @!p0 $0x380, s20  }
0x21: {  	s21 =	sand.u32 @!p0 $0xC00, s21;
	s1 =	sand.u32 @!p0 $0x4000, s1;
	s19 =	sor.u32 @!p0 s19, s20  }
0x22: {  	s20 =	sadd.s32 @!p0 s3, s22;
	s19 =	sor.u32 @!p0 s21, s19;
	s21 =	sand.u32 @!p0 $0x7, s10  }
0x23: {  	s20 =	sadd.s32 @!p0 s23, s20;
	s19 =	sshrl.u32 @!p0 s19, $0x3;
	s21 =	sshll.u32 @!p0 s21, $0x12  }
0x24: {  	s19 =	sadd.s32 @!p0 s19, s20;
	s20 =	sor.u32 @!p0 $0x800, s21;
	s21 =	simm.s32 @!p0 $0x1000  }
0x25: {  	[tilespmem:s1], [sflag:$0x1] =	stream.strided.gather @!p0 [hbm4b:s19+s20], $0x4000, s21, s20, $0x38;
	[tilespmem:$0x10000] =	vst v63  }
0x26: {  	p0 =	sge.u32 s31, s5  }
.Ltmp2:
0x27: {  	_ = 	snop;
	(pc) =	sbr.rel @p0 .LBB1_7-.Ltmp2, $1  }
0x28: {  	_ =	sdelay $0x3  }
0x29: {  	s1 =	sshll.u32 s9, $0x2;
	_ =	swait.ge [sflag:s4], $0x4000;
	s19 =	sshll.u32 s14, $0xE  }
0x2a: {  	p0 =	por $0x0, $0x0;
	s25 =	simm.s32 $0x0;
	s26 =	simm.s32 $0x0  }
0x2b: {  	s1 =	sand.u32 $0x10000, s1;
	[sflag:s4] =	ssyncset.done $0x0;
	s22 =	sand.u32 $0x4000, s19  }
0x2c: {  	s1 =	sshrl.u32 s1, $0x2;
	[sflag:s4] =	ssyncadd.s32 $0xFFFFC000;
	s19 =	sor.u32 $0x8000, s22  }
0x2d: {  	s20 =	sor.u32 $0x40, s1;
	s21 =	sor.u32 $0x8410, s1;
	s23 =	sadd.s32 $0x8400, s1  }
.LBB1_3:
0x2e: {  	v1 =	vld [tilespmem:s20+$0xFFFFFFD0]  }
0x2f: {  	v2 =	vld [tilespmem:s20+$0x430]  }
0x30: {  	s1 =	sshll.u32 s26, $0xB;
	v4 =	vld [tilespmem:s20+$0xFFFFFFE0]  }
0x31: {  	v7 =	vld [tilespmem:s20+$0xFFFFFFF0];
	v0 =	vmov s1  }
0x32: {  	v8 =	vld [tilespmem:s20+$0x0]  }
0x33: {  	v9 =	vld [tilespmem:s20+$0x10];
	s1 =	sand.u32 $0x300, s24  }
0x34: {  	s27 =	sand.u32 $0x80, s24;
	v10 =	vld [tilespmem:s20+$0x20];
	s1 =	sadd.s32 s1, s22  }
0x35: {  	v11 =	vld [tilespmem:s20+$0x30];
	s1 =	sadd.s32 s27, s1;
	s27 =	simm.s32 $0x1;
	[tilespmem:s21+$0x60] =	vst v2  }
0x36: {  	s27 =	simm.s32 @!p0 $0x0;
	[tilespmem:s21+$0xFFFFFC00] =	vst v1;
	v3 =	vld.idx.msk [tilespmem:v0+s1+$0x400 ss:$0x1], $0xffff;
	s1 =	sshll.u32 s25, $0x2  }
0x37: {  	v6 =	vld [tilespmem:s20+$0x3D0];
	s27 =	sshll.u32 s27, $0x9;
	[tilespmem:s21+$0xFFFFFC10] =	vst v4;
	s1 =	sand.u32 $0xFFFFFC00, s1  }
0x38: {  	v5 =	vld [tilespmem:s20+$0x3E0];
	[tilespmem:s21+$0xFFFFFC20] =	vst v7;
	s1 =	sor.u32 s27, s1  }
0x39: {  	[tilespmem:s21+$0xFFFFFC30] =	vst v8;
	v4 =	vld [tilespmem:s20+$0x400];
	s1 =	sshrl.u32 s1, $0x2  }
0x3a: {  	[tilespmem:s21+$0xFFFFFC40] =	vst v9;
	v1 =	vld [tilespmem:s20+$0x410];
	s27 =	sadd.s32 s1, s23  }
0x3b: {  	[tilespmem:s27+$0x0] =	vst v3;
	v3 =	vld [tilespmem:s20+$0x3F0]  }
0x3c: {  	s31 =	simm.s32 $0x80;
	s30 =	simm.s32 $0x100;
	[tilespmem:s21+$0xFFFFFC50] =	vst v10;
	v2 =	vld [tilespmem:s20+$0x420]  }
0x3d: {  	s28 =	sadd.s32 $0x80, s20;
	s29 =	smov.u32 s21;
	v7 =	vld [tilespmem:s20+$0xFFFFFFC0];
	[tilespmem:s21+$0xFFFFFC60] =	vst v11;
	s1 =	sand.u32 $0x300, s31  }
.LBB1_4:
0x3e: {  	p1 =	sne.s32 s30, $0x380;
	v8 =	vld [tilespmem:s28+$0xFFFFFFD0];
	s31 =	sand.u32 $0x80, s31;
	s1 =	sadd.s32 s1, s22;
	[tilespmem:s29+$0x0] =	vst v6  }
0x3f: {  	s1 =	sadd.s32 s31, s1;
	v6 =	vld [tilespmem:s28+$0x430];
	[tilespmem:s29+$0x10] =	vst v5;
	s31 =	smov.u32 s30  }
0x40: {  	v5 =	vld.idx.msk [tilespmem:v0+s1+$0x400 ss:$0x1], $0xffff;
	[tilespmem:s29+$0x20] =	vst v3  }
0x41: {  	v3 =	vld [tilespmem:s28+$0xFFFFFFE0];
	[tilespmem:s29+$0x30] =	vst v4  }
0x42: {  	v4 =	vld [tilespmem:s28+$0xFFFFFFF0];
	[tilespmem:s29+$0xFFFFFBF0] =	vst v7  }
0x43: {  	v7 =	vld [tilespmem:s28+$0x0];
	[tilespmem:s29+$0x40] =	vst v1  }
0x44: {  	v1 =	vld [tilespmem:s28+$0x10];
	[tilespmem:s29+$0x50] =	vst v2;
	s29 =	sadd.s32 $0x800, s29  }
0x45: {  	s27 =	sadd.s32 $0x800, s27;
	v2 =	vld [tilespmem:s28+$0x20];
	[tilespmem:s29+$0x60] =	vst v6  }
0x46: {  	v9 =	vld [tilespmem:s28+$0x30];
	[tilespmem:s27+$0x0] =	vst v5  }
0x47: {  	[tilespmem:s29+$0xFFFFFC00] =	vst v8;
	v6 =	vld [tilespmem:s28+$0x3D0]  }
0x48: {  	[tilespmem:s29+$0xFFFFFC10] =	vst v3;
	v5 =	vld [tilespmem:s28+$0x3E0]  }
.Ltmp3:
0x49: {  	[tilespmem:s29+$0xFFFFFC20] =	vst v4;
	v3 =	vld [tilespmem:s28+$0x3F0];
	(pc) =	sbr.rel @p1 .LBB1_4-.Ltmp3, $4  }
0x4a: {  	[tilespmem:s29+$0xFFFFFC30] =	vst v7;
	v4 =	vld [tilespmem:s28+$0x400]  }
0x4b: {  	[tilespmem:s29+$0xFFFFFC40] =	vst v1;
	v1 =	vld [tilespmem:s28+$0x410]  }
0x4c: {  	[tilespmem:s29+$0xFFFFFC50] =	vst v2;
	v2 =	vld [tilespmem:s28+$0x420]  }
0x4d: {  	s30 =	sadd.s32 $0x80, s30;
	s1 =	sand.u32 $0x300, s31;
	v7 =	vld [tilespmem:s28+$0xFFFFFFC0];
	[tilespmem:s29+$0xFFFFFC60] =	vst v9;
	s28 =	sadd.s32 $0x80, s28  }
0x4e: {  	[tilespmem:s29+$0x0] =	vst v6  }
0x4f: {  	[tilespmem:s29+$0x10] =	vst v5  }
0x50: {  	v49 =	vld [tilespmem:s28+$0x430];
	[tilespmem:s29+$0x20] =	vst v3  }
0x51: {  	v50 =	vld [tilespmem:s28+$0xFFFFFFD0];
	[tilespmem:s29+$0x30] =	vst v4  }
0x52: {  	v51 =	vld [tilespmem:s28+$0xFFFFFFE0];
	[tilespmem:s29+$0x40] =	vst v1  }
0x53: {  	v52 =	vld [tilespmem:s28+$0xFFFFFFF0];
	[tilespmem:s29+$0x50] =	vst v2  }
0x54: {  	s30 =	sand.u32 $0x80, s31;
	s31 =	sadd.s32 $0x800, s29;
	v53 =	vld [tilespmem:s28+$0x0];
	[tilespmem:s29+$0xFFFFFBF0] =	vst v7  }
0x55: {  	v54 =	vld [tilespmem:s28+$0x10];
	[tilespmem:s31+$0x60] =	vst v49  }
0x56: {  	v55 =	vld [tilespmem:s28+$0x20];
	[tilespmem:s31+$0xFFFFFC00] =	vst v50  }
0x57: {  	v56 =	vld [tilespmem:s28+$0x30];
	[tilespmem:s31+$0xFFFFFC10] =	vst v51  }
0x58: {  	v57 =	vld [tilespmem:s28+$0x3D0];
	[tilespmem:s31+$0xFFFFFC20] =	vst v52  }
0x59: {  	v58 =	vld [tilespmem:s28+$0x3E0];
	[tilespmem:s31+$0xFFFFFC30] =	vst v53  }
0x5a: {  	v59 =	vld [tilespmem:s28+$0x3F0];
	[tilespmem:s31+$0xFFFFFC40] =	vst v54  }
0x5b: {  	v60 =	vld [tilespmem:s28+$0x400];
	[tilespmem:s31+$0xFFFFFC50] =	vst v55  }
0x5c: {  	v61 =	vld [tilespmem:s28+$0xFFFFFFC0];
	[tilespmem:s31+$0xFFFFFC60] =	vst v56  }
0x5d: {  	s1 =	sadd.s32 s1, s22;
	v62 =	vld [tilespmem:s28+$0x410];
	[tilespmem:s31+$0x0] =	vst v57  }
0x5e: {  	v63 =	vld [tilespmem:s28+$0x420];
	s26 =	sadd.s32 $0x1, s26;
	s1 =	sadd.s32 s30, s1;
	[tilespmem:s31+$0x10] =	vst v58  }
0x5f: {  	p1 =	sne.s32 s26, $0x8;
	v0 =	vld.idx.msk [tilespmem:v0+s1+$0x400 ss:$0x1], $0xffff;
	[tilespmem:s31+$0x20] =	vst v59  }
.Ltmp4:
0x60: {  	[tilespmem:s31+$0x30] =	vst v60;
	(pc) =	sbr.rel @p1 .LBB1_3-.Ltmp4, $4  }
0x61: {  	[tilespmem:s31+$0xFFFFFBF0] =	vst v61  }
0x62: {  	[tilespmem:s31+$0x40] =	vst v62  }
0x63: {  	s27 =	sadd.s32 $0x800, s27;
	s20 =	sadd.s32 $0x800, s20;
	[tilespmem:s31+$0x50] =	vst v63  }
0x64: {  	s25 =	sadd.s32 $0x80, s25;
	p0 =	por !p0, !p0;
	s21 =	sadd.s32 $0x80, s21;
	[tilespmem:s27+$0x0] =	vst v0  }
0x65: {  	s1 =	sshll.u32 s18, $0x9;
	s20 =	sshll.u32 s15, $0x3  }
0x66: {  	s28 =	sshll.u32 s18, $0x7;
	s1 =	sand.u32 $0xFFFFF000, s1;
	s20 =	sand.u32 $0xFFFFFC00, s20  }
0x67: {  	s29 =	sand.u32 $0x200, s28;
	s1 =	sadd.s32 s1, s20  }
0x68: {  	s1 =	sor.u32 s29, s1  }
0x69: {  	s17 =	smul.u32 $0xC0000, s17;
	s1 =	sshrl.u32 s1, $0x9  }
0x6a: {  	s30 =	smulhi.u32 $0x2AAAAB, s1  }
0x6b: {  	s21 =	sand.u32 $0x78, s15;
	s16 =	smul.u32 $0x18000, s16  }
0x6c: {  	s31 =	sand.u32 $0x7, s15;
	s18 =	sand.u32 $0x180, s28;
	s20 =	smul.u32 $0x600, s30  }
.Ltmp5:
0x6d: {  	s18 =	sor.u32 s18, s21;
	s17 =	sadd.s32 s6, s17;
	(pc) =	sbr.rel .LBB1_7-.Ltmp5, $4  }
0x6e: {  	s18 =	sshrl.u32 s18, $0x3;
	s16 =	sadd.s32 s16, s17;
	s1 =	ssub.s32 s1, s20  }
0x6f: {  	s15 =	sshll.u32 s31, $0x12;
	s16 =	sadd.s32 s18, s16;
	s1 =	sshll.u32 s1, $0x6  }
0x70: {  	s15 =	sor.u32 $0x800, s15;
	s1 =	sadd.s32 s1, s16  }
0x71: {  	[hbm4b:s1+s15] =	stream.strided.scatter [tilespmem:s19], [sflag:$0x2], $0x4000, s8, s15, $0x38;
	[tilespmem:$0x10000] =	vst v63  }
.LBB1_8:
0x72: {  	_ =	sfence.sel $0x180000  }
0x73: {  	s1 =	simm.s32 $0x1;
	[bflag:$0x0] =	sbarrier.arrive $0xFFFF  }
0x74: {  	s31 =	simm.s32 $0x2;
	[sflag:s1] =	ssyncpa.u1 $0x1  }
0x75: {  	[sflag:s31] =	ssyncpa.u1 $0x1  }
0x76: {  	_ =	strace $0x90000047  }
0x77: {  	[bflag:$0x2] =	sbarrier.arrive $0xFFFF  }
0x78: {  	p0 =	sne.s32 s0, $0x0;
	s0 =	rddreg [dreg:$0x1]  }
0x79: {  	s0 =	sadd.s32 @!p0 $0x100000, s0  }
0x7a: {  	[sflag:s0] =	ssyncadd.tile.s32 @!p0 $0x1;
	_ =	shalt  }
.Lfunc_end1:
_tile_overlayer_lowered:
.L_overlay_start_2:
0x7b: {  	(tag) =	ssettag $0x2  }
0x7c: {  	s0 =	rddreg [dreg:$0x0];
	s2 =	stileid.u32  }
0x7d: {  	s1 =	rddreg [dreg:$0x1];
	p0 =	sne.s32 s2, $0x0  }
0x7e: {  	s3 =	rddreg [dreg:$0x2];
	[bflag:$0x3] =	sbarrier.arrive $0xFFFF;
	s2 =	simm.s32 @!p0 $0x1C01  }
0x7f: {  	[timem:s3], [sflag:s2] =	dma.local @!p0 [hbm:s0], s1  }
0x80: {  	s0 =	simm.s32 @!p0 $0x1  }
0x81: {  	_ =	swait.ge @!p0 [sflag:s0], s1  }
0x82: {  	s1 =	ssub.s32 @!p0 $0x0, s1;
	[sflag:s0] =	ssyncset.done @!p0 $0x0  }
0x83: {  	[sflag:s0] =	ssyncadd.s32 @!p0 s1  }
0x84: {  	[bflag:$0x3] =	sbarrier.arrive $0xFFFF  }
0x85: {  	_ =	shalt  }

// kernel: sparse-core-data-format-call.cloned.1.call-start
scs
called_computation_lowered:
.L_overlay_start_0:
0x0: {  	s2 =	sld [smem:$0x3FD9]  }
0x1: {  	s3 =	sld [smem:$0x3FFE];
	_ =	sdelay $0x1  }
0x2: {  	s1 =	srdreg.scid  }
0x3: {  	s0 =	sand.u32 $0x1, s1  }
0x4: {  	s18 =	sshll.u32 s0, $0xA;
	s2 =	sadd.s32 s3, s2  }
0x5: {  	s2 =	sadd.s32 s2, s18  }
0x6: {  	[smem:$0x3FC0] =	sst s2  }
0x7: {  	_ = 	snop  }
0x8: {  	s2 =	sld [smem:$0x3FD0];
	(tm) =	ssettm $0x1  }
0x9: {  	s19 =	sld [smem:$0x3FFB];
	_ =	sdelay $0x3  }
0xa: {  	_ =	strace s19  }
0xb: {  	s3 =	sld [smem:$0x3FFC];
	_ =	sdelay $0x3  }
0xc: {  	_ =	strace s3  }
0xd: {  	s3 =	sld [smem:$0x3FFD];
	_ =	sdelay $0x3  }
0xe: {  	_ =	strace s3  }
0xf: {  	_ =	strace $0x8FFFFFFF  }
0x10: {  	s20 =	sld [smem:$0x3FDB];
	_ =	sdelay $0x1  }
0x11: {  	s4 =	simm.s32 $_scs_section_size  }
0x12: {  	s5 =	simm.s32 $_size__tile_overlayer_lowered;
	s6 =	simm.s32 $_tile_overlayer_lowered  }
0x13: {  	s23 =	simm.s32 $0x1BFF;
	s22 =	sshll.u32 s6, $0x1;
	s3 =	sadd.s32 s4, s20  }
0x14: {  	s7 =	simm.s32 $0x0;
	s21 =	sshll.u32 s5, $0x1;
	s5 =	sadd.s32 s22, s3  }
0x15: {  	[timem:s7], [sflag:s23] =	dma.local [hbm:s5], s21  }
0x16: {  	_ =	swait.ge [sflag:s23], s21  }
0x17: {  	s4 =	ssub.s32 $0x0, s21;
	[sflag:s23] =	ssyncset.done $0x0  }
0x18: {  	[sflag:s23] =	ssyncadd.s32 s4;
	_ =	sdelay $0x1  }
0x19: {  	s24 =	simm.s32 $0x1B8B  }
0x1a: {  	_ =	swait.ge [sflag:s24], $0x1  }
0x1b: {  	[sflag:s24] =	ssyncset.done $0x0  }
0x1c: {  	s26 =	simm.s32 $0x1B8E;
	s25 =	sld [smem:$0x3FFE];
	[sflag:s24] =	ssyncadd.s32 $0xFFFFFFFF  }
0x1d: {  	s27 =	simm.s32 $execute0_lowered;
	[smem:$0x3FD2] =	sst s26  }
0x1e: {  	s5 =	sshll.u32 s27, $0x1;
	_ =	strace $0x8000004F;
	[dreg:$0x1] =	wrdreg $0xFFFFFFFF  }
0x1f: {  	s28 =	simm.s32 $_size_execute0_lowered;
	s3 =	sadd.s32 s3, s5;
	[dreg:$0x0] =	wrdreg $0x0  }
0x20: {  	s5 =	sshll.u32 s28, $0x1;
	[dreg:$0x2] =	wrdreg s3  }
0x21: {  	[dreg:$0x3] =	wrdreg s5  }
0x22: {  	[dreg:$0x4] =	wrdreg $0xC0  }
0x23: {  	_ =	task [dreg:s7], $0x5FFFF  }
0x24: {  	[dreg:$0x1] =	wrdreg $0xFFFFFFFF  }
0x25: {  	[dreg:$0x0] =	wrdreg $0x60  }
0x26: {  	[dreg:$0x2] =	wrdreg s25  }
0x27: {  	[dreg:$0x3] =	wrdreg s2  }
0x28: {  	[dreg:$0x4] =	wrdreg $0x9  }
0x29: {  	_ =	task.clear_ibuf [dreg:s7], $0x5FFFF;
	_ =	strace $0x9000004F  }
0x2a: {  	s29 =	simm.s32 $0x9;
	_ =	strace $0x80000051  }
0x2b: {  	_ =	swait.ge [sflag:s29], $0x1  }
0x2c: {  	[sflag:s29] =	ssyncadd.s32 $0xFFFFFFFF  }
0x2d: {  	_ =	strace $0x90000051  }
0x2e: {  	_ =	sfence  }
0x2f: {  	s30 =	sld [smem:$0x0];
	_ =	sdelay $0x2  }
0x30: {  	s31 =	sshll.u32 s1, $0xD;
	s1 =	sshrl.u32 s1, $0x2  }
0x31: {  	s3 =	sand.u32 $0x4000, s31;
	s1 =	sadd.s32 s1, s30  }
0x32: {  	s0 =	sor.u32 s3, s0;
	s1 =	sshll.u32 s1, $0x11  }
0x33: {  	s0 =	sor.u32 s1, s0  }
0x34: {  	s0 =	sadd.s32 $0x8F2B, s0  }
0x35: {  	[sflag:s0] =	ssyncadd.remote.s32 $0x1  }
0x36: {  	_ =	sfence.sel $0xFFFF  }
0x37: {  	[dreg:$0x0] =	wrdreg $0xFFFFFFFF;
	(pc) =	sbr.abs _section_cstart, $3  }
0x38: {  	[dreg:$0x1] =	wrdreg $0xFFFFFFFF  }
0x39: {  	_ =	task.clear_ibuf [dreg:s7], $0x2FFFF;
	_ =	strace $0x9FFFFFFF  }
0x3a: {  	(tm) =	ssettm $0x7FFFFFFF  }
0x3b: {  	_ =	shalt  }
tec
execute0_lowered:
.L_overlay_start_1:
0x0: {  	(tag) =	ssettag $0x1  }
0x1: {  	s0 =	stileid.u32;
	s1 =	srdreg.scid  }
0x2: {  	s2 =	sshll.u32 s0, $0x1;
	s1 =	sshll.u32 s1, $0x5  }
0x3: {  	s7 =	rddreg [dreg:$0x0];
	s8 =	simm.s32 $0x2;
	s1 =	sor.u32 s2, s1  }
0x4: {  	s17 =	simm.s32 $0x0;
	s9 =	simm.s32 $0x1000;
	s1 =	sand.u32 $0x3C, s1  }
0x5: {  	s10 =	simm.s32 $0x90000;
	s2 =	sand.u32 $0x1, s0;
	s3 =	ssub.s32 $0x40, s1  }
0x6: {  	s11 =	simm.s32 $0x0;
	s4 =	ssub.s32 $0x2, s2;
	s5 =	sand.u32 $0x3C, s3  }
0x7: {  	s6 =	sshrl.u32 s4, $0x1;
	p0 =	sne.s32 s5, $0x0;
	s5 =	simm.s32 $0x1  }
0x8: {  	s4 =	sand.u32 $0x1, s4;
	s3 =	sshrl.u32 s3, $0x6;
	s5 =	simm.s32 @!p0 $0x0  }
0x9: {  	s18 =	simm.s32 $0x0;
	s6 =	sadd.s32 s4, s6;
	s3 =	sadd.s32 s5, s3  }
0xa: {  	s19 =	simm.s32 $0x0;
	s20 =	simm.s32 $0x0;
	s6 =	smul.u32 s3, s6  }
.Ltmp0:
0xb: {  	s12 =	simm.s32 $0x0;
	s14 =	simm.s32 $0x0;
	(pc) =	sbr.rel .LBB1_1-.Ltmp0, $4  }
0xc: {  	s16 =	simm.s32 $0x0;
	s4 =	rddreg [dreg:$0x1];
	s5 =	simm.s32 $0x1  }
0xd: {  	s3 =	rddreg [dreg:$0x2];
	_ =	strace $0x80000050;
	s6 =	smul.u32 $0x48, s6  }
0xe: {  	s7 =	sadd.s32 $0x243600, s7;
	s15 =	smov.u32 s2;
	[sflag:s5] =	ssyncpa.u1 $0x0  }
0xf: {  	s13 =	smov.u32 s1;
	[sflag:s8] =	ssyncpa.u1 $0x0;
	s8 =	sor.u32 $0x1, s6  }
.LBB1_7:
0x10: {  	s21 =	sadd.s32 $0x8, s12  }
0x11: {  	s17 =	sadd.s32 $0x40, s13;
	s22 =	smov.u32 s13;
	p1 =	sgt.s32 s21, $0x17  }
0x12: {  	s22 =	smov.u32 @p1 s17  }
0x13: {  	s17 =	simm.s32 $0x1;
	p2 =	sgt.s32 s22, $0x3F  }
0x14: {  	s17 =	simm.s32 @!p2 $0x0  }
0x15: {  	s23 =	sadd.s32 s17, s14  }
0x16: {  	s24 =	smov.u32 s15;
	s17 =	sadd.s32 $0x2, s15;
	p3 =	sgt.s32 s23, $0x17  }
0x17: {  	p0 =	slt.u32 s16, $0x2;
	s24 =	smov.u32 @p3 s17  }
0x18: {  	s18 =	smov.u32 s13;
	s21 =	simm.s32 @p1 $0x0;
	p1 =	sgt.s32 s24, $0x1  }
0x19: {  	s25 =	simm.s32 @!p0 $0x2;
	s24 =	smov.u32 @p1 s2;
	p1 =	sne.s32 s16, s8  }
.Ltmp1:
0x1a: {  	s19 =	smov.u32 s14;
	_ =	swait.ge @!p0 [sflag:s25], $0x4000;
	(pc) =	sbr.rel @!p1 .LBB1_8-.Ltmp1, $4  }
0x1b: {  	s20 =	smov.u32 s15;
	[sflag:s25] =	ssyncset.done @!p0 $0x0;
	s22 =	smov.u32 @p2 s1  }
0x1c: {  	s11 =	sadd.s32 $0x4000, s11;
	[sflag:s25] =	ssyncadd.s32 @!p0 $0xFFFFC000;
	s13 =	smov.u32 s22  }
0x1d: {  	s23 =	simm.s32 @p3 $0x0;
	s17 =	smov.u32 s12;
	s12 =	smov.u32 s21  }
0x1e: {  	s14 =	smov.u32 s23;
	s16 =	sadd.s32 $0x1, s16;
	s15 =	smov.u32 s24  }
.LBB1_1:
0x1f: {  	p0 =	sge.u32 s16, s6  }
0x20: {  	s21 =	sshll.u32 @!p0 s12, $0x9;
	s22 =	sshll.u32 @!p0 s12, $0x7  }
0x21: {  	s21 =	sand.u32 @!p0 $0xFFFFF000, s21;
	s22 =	sand.u32 @!p0 $0x200, s22  }
0x22: {  	s23 =	smul.u32 @!p0 $0x240000, s15;
	s21 =	sor.u32 @!p0 s22, s21  }
0x23: {  	s24 =	smul.u32 @!p0 $0x18000, s14;
	s21 =	sshrl.u32 @!p0 s21, $0x9  }
0x24: {  	s22 =	smulhi.u32 @!p0 $0xAAAAAAB, s21  }
0x25: {  	s31 =	sadd.s32 $0xFFFFFFFF, s16;
	s26 =	smul.u32 @!p0 $0x600, s13  }
0x26: {  	s25 =	sxor.u32 @!p0 $0xFFFFFFFF, s16;
	s23 =	sadd.s32 @!p0 s7, s23;
	s22 =	smul.u32 @!p0 $0x18, s22  }
0x27: {  	s25 =	sshll.u32 @!p0 s25, $0xE;
	s23 =	sadd.s32 @!p0 s24, s23;
	s24 =	sshll.u32 @!p0 s12, $0x4  }
0x28: {  	s23 =	sadd.s32 @!p0 s26, s23;
	s21 =	ssub.s32 @!p0 s21, s22;
	s22 =	sand.u32 @!p0 $0x30, s24  }
0x29: {  	s24 =	sand.u32 @!p0 $0x4000, s25;
	s21 =	sshll.u32 @!p0 s21, $0x6;
	s22 =	sadd.s32 @!p0 s22, s23  }
0x2a: {  	s23 =	simm.s32 @!p0 $0x3000;
	s21 =	sadd.s32 @!p0 s21, s22;
	s22 =	simm.s32 @!p0 $0x1000  }
0x2b: {  	[tilespmem:s24], [sflag:$0x1] =	stream.strided.gather @!p0 [hbm4b:s21+s22], $0x4000, s23, s22, $0x38;
	[tilespmem:$0x10000] =	vst v63  }
0x2c: {  	p0 =	sge.u32 s31, s6  }
.Ltmp2:
0x2d: {  	_ = 	snop;
	(pc) =	sbr.rel @p0 .LBB1_7-.Ltmp2, $1  }
0x2e: {  	_ =	sdelay $0x3  }
0x2f: {  	s21 =	sand.u32 $0x4000, s11  }
0x30: {  	_ =	swait.ge [sflag:s5], $0x4000;
	s24 =	sshll.u32 s16, $0xE;
	s22 =	sor.u32 $0x440, s21  }
0x31: {  	s23 =	sor.u32 $0x8C70, s21;
	[sflag:s5] =	ssyncset.done $0x0;
	s31 =	sand.u32 $0x4000, s24  }
0x32: {  	s24 =	simm.s32 $0x0;
	[sflag:s5] =	ssyncadd.s32 $0xFFFFC000;
	s21 =	sor.u32 $0x8000, s31  }
.LBB1_3:
0x33: {  	v1 =	vmov s22;
	_ =	sdelay $0x3  }
0x34: {  	s25 =	simm.s32 $0xFFFFFC00  }
0x35: {  	v2 =	vld.idx.msk [tilespmem:v1+s25+$0xC30 ss:$0x1], $0xffff  }
0x36: {  	v0 =	vmov s23;
	v3 =	vld.idx.msk [tilespmem:v1+s25+$0xFFFFFFC0 ss:$0x1], $0xffff  }
0x37: {  	v4 =	vld.idx.msk [tilespmem:v1+s25+$0xFFFFFFD0 ss:$0x1], $0xffff  }
0x38: {  	v5 =	vld.idx.msk [tilespmem:v1+s25+$0xFFFFFFE0 ss:$0x1], $0xffff  }
0x39: {  	v6 =	vld.idx.msk [tilespmem:v1+s25+$0xFFFFFFF0 ss:$0x1], $0xffff  }
0x3a: {  	v7 =	vld.idx.msk [tilespmem:v1+s25+$0x0 ss:$0x1], $0xffff  }
0x3b: {  	v8 =	vld.idx.msk [tilespmem:v1+s25+$0x10 ss:$0x1], $0xffff;
	[tilespmem:v0+s25+$0x400 ss:$0x1] =	vst.idx.msk $0xffff, v2  }
0x3c: {  	[tilespmem:v0+s25+$0xFFFFF790 ss:$0x1] =	vst.idx.msk $0xffff, v3;
	v2 =	vld.idx.msk [tilespmem:v1+s25+$0x20 ss:$0x1], $0xffff  }
0x3d: {  	[tilespmem:v0+s25+$0xFFFFF7A0 ss:$0x1] =	vst.idx.msk $0xffff, v4;
	v3 =	vld.idx.msk [tilespmem:v1+s25+$0x30 ss:$0x1], $0xffff  }
0x3e: {  	[tilespmem:v0+s25+$0xFFFFF7B0 ss:$0x1] =	vst.idx.msk $0xffff, v5;
	v4 =	vld.idx.msk [tilespmem:v1+s25+$0x3C0 ss:$0x1], $0xffff  }
0x3f: {  	[tilespmem:v0+s25+$0xFFFFF7C0 ss:$0x1] =	vst.idx.msk $0xffff, v6;
	v5 =	vld.idx.msk [tilespmem:v1+s25+$0x3D0 ss:$0x1], $0xffff  }
0x40: {  	[tilespmem:v0+s25+$0xFFFFF7D0 ss:$0x1] =	vst.idx.msk $0xffff, v7;
	v6 =	vld.idx.msk [tilespmem:v1+s25+$0x3E0 ss:$0x1], $0xffff  }
0x41: {  	[tilespmem:v0+s25+$0xFFFFF7E0 ss:$0x1] =	vst.idx.msk $0xffff, v8;
	v7 =	vld.idx.msk [tilespmem:v1+s25+$0x3F0 ss:$0x1], $0xffff  }
0x42: {  	v8 =	vld.idx.msk [tilespmem:v1+s25+$0xBC0 ss:$0x1], $0xffff;
	[tilespmem:v0+s25+$0xFFFFF7F0 ss:$0x1] =	vst.idx.msk $0xffff, v2  }
0x43: {  	v2 =	vld.idx.msk [tilespmem:v1+s25+$0x400 ss:$0x1], $0xffff;
	[tilespmem:v0+s25+$0xFFFFF800 ss:$0x1] =	vst.idx.msk $0xffff, v3  }
0x44: {  	v3 =	vld.idx.msk [tilespmem:v1+s25+$0x410 ss:$0x1], $0xffff;
	[tilespmem:v0+s25+$0xFFFFFB90 ss:$0x1] =	vst.idx.msk $0xffff, v4  }
0x45: {  	v4 =	vld.idx.msk [tilespmem:v1+s25+$0x420 ss:$0x1], $0xffff;
	[tilespmem:v0+s25+$0xFFFFFBA0 ss:$0x1] =	vst.idx.msk $0xffff, v5  }
0x46: {  	v5 =	vld.idx.msk [tilespmem:v1+s25+$0x430 ss:$0x1], $0xffff;
	[tilespmem:v0+s25+$0xFFFFFBB0 ss:$0x1] =	vst.idx.msk $0xffff, v6  }
0x47: {  	v6 =	vld.idx.msk [tilespmem:v1+s25+$0x7C0 ss:$0x1], $0xffff;
	[tilespmem:v0+s25+$0xFFFFFBC0 ss:$0x1] =	vst.idx.msk $0xffff, v7  }
0x48: {  	v7 =	vld.idx.msk [tilespmem:v1+s25+$0x7D0 ss:$0x1], $0xffff;
	[tilespmem:v0+s25+$0x390 ss:$0x1] =	vst.idx.msk $0xffff, v8  }
0x49: {  	[tilespmem:v0+s25+$0xFFFFFBD0 ss:$0x1] =	vst.idx.msk $0xffff, v2;
	v2 =	vld.idx.msk [tilespmem:v1+s25+$0x7E0 ss:$0x1], $0xffff  }
0x4a: {  	[tilespmem:v0+s25+$0xFFFFFBE0 ss:$0x1] =	vst.idx.msk $0xffff, v3;
	v3 =	vld.idx.msk [tilespmem:v1+s25+$0x7F0 ss:$0x1], $0xffff  }
0x4b: {  	[tilespmem:v0+s25+$0xFFFFFBF0 ss:$0x1] =	vst.idx.msk $0xffff, v4;
	v4 =	vld.idx.msk [tilespmem:v1+s25+$0x800 ss:$0x1], $0xffff  }
0x4c: {  	[tilespmem:v0+s25+$0xFFFFFC00 ss:$0x1] =	vst.idx.msk $0xffff, v5;
	v5 =	vld.idx.msk [tilespmem:v1+s25+$0x810 ss:$0x1], $0xffff  }
0x4d: {  	[tilespmem:v0+s25+$0xFFFFFF90 ss:$0x1] =	vst.idx.msk $0xffff, v6;
	v6 =	vld.idx.msk [tilespmem:v1+s25+$0x820 ss:$0x1], $0xffff  }
0x4e: {  	[tilespmem:v0+s25+$0xFFFFFFA0 ss:$0x1] =	vst.idx.msk $0xffff, v7;
	v7 =	vld.idx.msk [tilespmem:v1+s25+$0x830 ss:$0x1], $0xffff  }
0x4f: {  	[tilespmem:v0+s25+$0xFFFFFFB0 ss:$0x1] =	vst.idx.msk $0xffff, v2;
	v2 =	vld.idx.msk [tilespmem:v1+s25+$0xBD0 ss:$0x1], $0xffff  }
0x50: {  	[tilespmem:v0+s25+$0xFFFFFFC0 ss:$0x1] =	vst.idx.msk $0xffff, v3;
	v3 =	vld.idx.msk [tilespmem:v1+s25+$0xBE0 ss:$0x1], $0xffff  }
0x51: {  	[tilespmem:v0+s25+$0xFFFFFFD0 ss:$0x1] =	vst.idx.msk $0xffff, v4;
	v4 =	vld.idx.msk [tilespmem:v1+s25+$0xBF0 ss:$0x1], $0xffff  }
0x52: {  	[tilespmem:v0+s25+$0xFFFFFFE0 ss:$0x1] =	vst.idx.msk $0xffff, v5;
	v5 =	vld.idx.msk [tilespmem:v1+s25+$0xC00 ss:$0x1], $0xffff  }
0x53: {  	[tilespmem:v0+s25+$0xFFFFFFF0 ss:$0x1] =	vst.idx.msk $0xffff, v6;
	v6 =	vld.idx.msk [tilespmem:v1+s25+$0xC10 ss:$0x1], $0xffff  }
0x54: {  	s27 =	simm.s32 $0xFFFFFC80;
	s26 =	simm.s32 $0xFFFFF400;
	[tilespmem:v0+s25+$0x0 ss:$0x1] =	vst.idx.msk $0xffff, v7;
	v7 =	vld.idx.msk [tilespmem:v1+s25+$0xC20 ss:$0x1], $0xffff  }
.LBB1_4:
0x55: {  	p0 =	sne.s32 s26, $0xFFFFFE00;
	v8 =	vld.idx.msk [tilespmem:v1+s27+$0xC30 ss:$0x1], $0xffff;
	[tilespmem:v0+s25+$0x3A0 ss:$0x1] =	vst.idx.msk $0xffff, v2  }
0x56: {  	v2 =	vld.idx.msk [tilespmem:v1+s27+$0xFFFFFFC0 ss:$0x1], $0xffff;
	[tilespmem:v0+s25+$0x3B0 ss:$0x1] =	vst.idx.msk $0xffff, v3  }
0x57: {  	v3 =	vld.idx.msk [tilespmem:v1+s27+$0xFFFFFFD0 ss:$0x1], $0xffff;
	[tilespmem:v0+s25+$0x3C0 ss:$0x1] =	vst.idx.msk $0xffff, v4  }
0x58: {  	v4 =	vld.idx.msk [tilespmem:v1+s27+$0xFFFFFFE0 ss:$0x1], $0xffff;
	[tilespmem:v0+s25+$0x3D0 ss:$0x1] =	vst.idx.msk $0xffff, v5  }
0x59: {  	v5 =	vld.idx.msk [tilespmem:v1+s27+$0xFFFFFFF0 ss:$0x1], $0xffff;
	[tilespmem:v0+s25+$0x3E0 ss:$0x1] =	vst.idx.msk $0xffff, v6  }
0x5a: {  	v6 =	vld.idx.msk [tilespmem:v1+s27+$0x0 ss:$0x1], $0xffff;
	[tilespmem:v0+s25+$0x3F0 ss:$0x1] =	vst.idx.msk $0xffff, v7;
	s25 =	smov.u32 s27  }
0x5b: {  	v7 =	vld.idx.msk [tilespmem:v1+s25+$0x10 ss:$0x1], $0xffff;
	[tilespmem:v0+s25+$0x400 ss:$0x1] =	vst.idx.msk $0xffff, v8  }
0x5c: {  	[tilespmem:v0+s25+$0xFFFFF790 ss:$0x1] =	vst.idx.msk $0xffff, v2;
	v2 =	vld.idx.msk [tilespmem:v1+s25+$0x20 ss:$0x1], $0xffff  }
0x5d: {  	[tilespmem:v0+s25+$0xFFFFF7A0 ss:$0x1] =	vst.idx.msk $0xffff, v3;
	v3 =	vld.idx.msk [tilespmem:v1+s25+$0x30 ss:$0x1], $0xffff  }
0x5e: {  	[tilespmem:v0+s25+$0xFFFFF7B0 ss:$0x1] =	vst.idx.msk $0xffff, v4;
	v4 =	vld.idx.msk [tilespmem:v1+s25+$0x3C0 ss:$0x1], $0xffff  }
0x5f: {  	[tilespmem:v0+s25+$0xFFFFF7C0 ss:$0x1] =	vst.idx.msk $0xffff, v5;
	v5 =	vld.idx.msk [tilespmem:v1+s25+$0x3D0 ss:$0x1], $0xffff  }
0x60: {  	[tilespmem:v0+s25+$0xFFFFF7D0 ss:$0x1] =	vst.idx.msk $0xffff, v6;
	v6 =	vld.idx.msk [tilespmem:v1+s25+$0x3E0 ss:$0x1], $0xffff  }
0x61: {  	[tilespmem:v0+s25+$0xFFFFF7E0 ss:$0x1] =	vst.idx.msk $0xffff, v7;
	v7 =	vld.idx.msk [tilespmem:v1+s25+$0x3F0 ss:$0x1], $0xffff  }
0x62: {  	[tilespmem:v0+s25+$0xFFFFF7F0 ss:$0x1] =	vst.idx.msk $0xffff, v2;
	v2 =	vld.idx.msk [tilespmem:v1+s25+$0x400 ss:$0x1], $0xffff  }
0x63: {  	[tilespmem:v0+s25+$0xFFFFF800 ss:$0x1] =	vst.idx.msk $0xffff, v3;
	v3 =	vld.idx.msk [tilespmem:v1+s25+$0x410 ss:$0x1], $0xffff  }
0x64: {  	[tilespmem:v0+s25+$0xFFFFFB90 ss:$0x1] =	vst.idx.msk $0xffff, v4;
	v4 =	vld.idx.msk [tilespmem:v1+s25+$0x420 ss:$0x1], $0xffff  }
0x65: {  	[tilespmem:v0+s25+$0xFFFFFBA0 ss:$0x1] =	vst.idx.msk $0xffff, v5;
	v5 =	vld.idx.msk [tilespmem:v1+s25+$0x430 ss:$0x1], $0xffff  }
0x66: {  	[tilespmem:v0+s25+$0xFFFFFBB0 ss:$0x1] =	vst.idx.msk $0xffff, v6;
	v6 =	vld.idx.msk [tilespmem:v1+s25+$0x7C0 ss:$0x1], $0xffff  }
0x67: {  	[tilespmem:v0+s25+$0xFFFFFBC0 ss:$0x1] =	vst.idx.msk $0xffff, v7;
	v7 =	vld.idx.msk [tilespmem:v1+s25+$0x7D0 ss:$0x1], $0xffff  }
0x68: {  	[tilespmem:v0+s25+$0xFFFFFBD0 ss:$0x1] =	vst.idx.msk $0xffff, v2;
	v2 =	vld.idx.msk [tilespmem:v1+s25+$0x7E0 ss:$0x1], $0xffff  }
0x69: {  	[tilespmem:v0+s25+$0xFFFFFBE0 ss:$0x1] =	vst.idx.msk $0xffff, v3;
	v3 =	vld.idx.msk [tilespmem:v1+s25+$0x7F0 ss:$0x1], $0xffff  }
0x6a: {  	[tilespmem:v0+s25+$0xFFFFFBF0 ss:$0x1] =	vst.idx.msk $0xffff, v4;
	v4 =	vld.idx.msk [tilespmem:v1+s25+$0x800 ss:$0x1], $0xffff  }
0x6b: {  	[tilespmem:v0+s25+$0xFFFFFC00 ss:$0x1] =	vst.idx.msk $0xffff, v5;
	v5 =	vld.idx.msk [tilespmem:v1+s25+$0x810 ss:$0x1], $0xffff  }
0x6c: {  	[tilespmem:v0+s25+$0xFFFFFF90 ss:$0x1] =	vst.idx.msk $0xffff, v6;
	v6 =	vld.idx.msk [tilespmem:v1+s25+$0x820 ss:$0x1], $0xffff  }
0x6d: {  	[tilespmem:v0+s25+$0xFFFFFFA0 ss:$0x1] =	vst.idx.msk $0xffff, v7;
	v7 =	vld.idx.msk [tilespmem:v1+s25+$0x830 ss:$0x1], $0xffff  }
0x6e: {  	[tilespmem:v0+s25+$0xFFFFFFB0 ss:$0x1] =	vst.idx.msk $0xffff, v2;
	v8 =	vld.idx.msk [tilespmem:v1+s25+$0xBC0 ss:$0x1], $0xffff  }
0x6f: {  	[tilespmem:v0+s25+$0xFFFFFFC0 ss:$0x1] =	vst.idx.msk $0xffff, v3;
	v2 =	vld.idx.msk [tilespmem:v1+s25+$0xBD0 ss:$0x1], $0xffff  }
.Ltmp3:
0x70: {  	[tilespmem:v0+s25+$0xFFFFFFD0 ss:$0x1] =	vst.idx.msk $0xffff, v4;
	v3 =	vld.idx.msk [tilespmem:v1+s25+$0xBE0 ss:$0x1], $0xffff;
	(pc) =	sbr.rel @p0 .LBB1_4-.Ltmp3, $4  }
0x71: {  	[tilespmem:v0+s25+$0xFFFFFFE0 ss:$0x1] =	vst.idx.msk $0xffff, v5;
	v4 =	vld.idx.msk [tilespmem:v1+s25+$0xBF0 ss:$0x1], $0xffff  }
0x72: {  	[tilespmem:v0+s25+$0xFFFFFFF0 ss:$0x1] =	vst.idx.msk $0xffff, v6;
	v5 =	vld.idx.msk [tilespmem:v1+s25+$0xC00 ss:$0x1], $0xffff  }
0x73: {  	[tilespmem:v0+s25+$0x0 ss:$0x1] =	vst.idx.msk $0xffff, v7;
	v6 =	vld.idx.msk [tilespmem:v1+s25+$0xC10 ss:$0x1], $0xffff  }
0x74: {  	s27 =	sshra.s32 s26, $0x2;
	s26 =	sadd.s32 $0x200, s26;
	[tilespmem:v0+s25+$0x390 ss:$0x1] =	vst.idx.msk $0xffff, v8;
	v7 =	vld.idx.msk [tilespmem:v1+s25+$0xC20 ss:$0x1], $0xffff  }
0x75: {  	_ =	sdelay $0x3  }
0x76: {  	[tilespmem:v0+s25+$0x3A0 ss:$0x1] =	vst.idx.msk $0xffff, v2  }
0x77: {  	v32 =	vld.idx.msk [tilespmem:v1+s27+$0xC30 ss:$0x1], $0xffff;
	[tilespmem:v0+s25+$0x3B0 ss:$0x1] =	vst.idx.msk $0xffff, v3  }
0x78: {  	v33 =	vld.idx.msk [tilespmem:v1+s27+$0xFFFFFFC0 ss:$0x1], $0xffff;
	[tilespmem:v0+s25+$0x3C0 ss:$0x1] =	vst.idx.msk $0xffff, v4  }
0x79: {  	v34 =	vld.idx.msk [tilespmem:v1+s27+$0xFFFFFFD0 ss:$0x1], $0xffff;
	[tilespmem:v0+s25+$0x3D0 ss:$0x1] =	vst.idx.msk $0xffff, v5  }
0x7a: {  	v35 =	vld.idx.msk [tilespmem:v1+s27+$0xFFFFFFE0 ss:$0x1], $0xffff;
	[tilespmem:v0+s25+$0x3E0 ss:$0x1] =	vst.idx.msk $0xffff, v6  }
0x7b: {  	v36 =	vld.idx.msk [tilespmem:v1+s27+$0xFFFFFFF0 ss:$0x1], $0xffff;
	[tilespmem:v0+s25+$0x3F0 ss:$0x1] =	vst.idx.msk $0xffff, v7  }
0x7c: {  	v37 =	vld.idx.msk [tilespmem:v1+s27+$0x0 ss:$0x1], $0xffff;
	[tilespmem:v0+s27+$0x400 ss:$0x1] =	vst.idx.msk $0xffff, v32  }
0x7d: {  	v38 =	vld.idx.msk [tilespmem:v1+s27+$0x10 ss:$0x1], $0xffff;
	[tilespmem:v0+s27+$0xFFFFF790 ss:$0x1] =	vst.idx.msk $0xffff, v33  }
0x7e: {  	v39 =	vld.idx.msk [tilespmem:v1+s27+$0x20 ss:$0x1], $0xffff;
	[tilespmem:v0+s27+$0xFFFFF7A0 ss:$0x1] =	vst.idx.msk $0xffff, v34  }
0x7f: {  	v40 =	vld.idx.msk [tilespmem:v1+s27+$0x30 ss:$0x1], $0xffff;
	[tilespmem:v0+s27+$0xFFFFF7B0 ss:$0x1] =	vst.idx.msk $0xffff, v35  }
0x80: {  	v41 =	vld.idx.msk [tilespmem:v1+s27+$0x3C0 ss:$0x1], $0xffff;
	[tilespmem:v0+s27+$0xFFFFF7C0 ss:$0x1] =	vst.idx.msk $0xffff, v36  }
0x81: {  	v42 =	vld.idx.msk [tilespmem:v1+s27+$0x3D0 ss:$0x1], $0xffff;
	[tilespmem:v0+s27+$0xFFFFF7D0 ss:$0x1] =	vst.idx.msk $0xffff, v37  }
0x82: {  	v43 =	vld.idx.msk [tilespmem:v1+s27+$0x3E0 ss:$0x1], $0xffff;
	[tilespmem:v0+s27+$0xFFFFF7E0 ss:$0x1] =	vst.idx.msk $0xffff, v38  }
0x83: {  	v44 =	vld.idx.msk [tilespmem:v1+s27+$0x3F0 ss:$0x1], $0xffff;
	[tilespmem:v0+s27+$0xFFFFF7F0 ss:$0x1] =	vst.idx.msk $0xffff, v39  }
0x84: {  	v45 =	vld.idx.msk [tilespmem:v1+s27+$0x400 ss:$0x1], $0xffff;
	[tilespmem:v0+s27+$0xFFFFF800 ss:$0x1] =	vst.idx.msk $0xffff, v40  }
0x85: {  	v46 =	vld.idx.msk [tilespmem:v1+s27+$0x410 ss:$0x1], $0xffff;
	[tilespmem:v0+s27+$0xFFFFFB90 ss:$0x1] =	vst.idx.msk $0xffff, v41  }
0x86: {  	v47 =	vld.idx.msk [tilespmem:v1+s27+$0x420 ss:$0x1], $0xffff;
	[tilespmem:v0+s27+$0xFFFFFBA0 ss:$0x1] =	vst.idx.msk $0xffff, v42  }
0x87: {  	v48 =	vld.idx.msk [tilespmem:v1+s27+$0x430 ss:$0x1], $0xffff;
	[tilespmem:v0+s27+$0xFFFFFBB0 ss:$0x1] =	vst.idx.msk $0xffff, v43  }
0x88: {  	v49 =	vld.idx.msk [tilespmem:v1+s27+$0x7C0 ss:$0x1], $0xffff;
	[tilespmem:v0+s27+$0xFFFFFBC0 ss:$0x1] =	vst.idx.msk $0xffff, v44  }
0x89: {  	v50 =	vld.idx.msk [tilespmem:v1+s27+$0x7D0 ss:$0x1], $0xffff;
	[tilespmem:v0+s27+$0xFFFFFBD0 ss:$0x1] =	vst.idx.msk $0xffff, v45  }
0x8a: {  	v51 =	vld.idx.msk [tilespmem:v1+s27+$0x7E0 ss:$0x1], $0xffff;
	[tilespmem:v0+s27+$0xFFFFFBE0 ss:$0x1] =	vst.idx.msk $0xffff, v46  }
0x8b: {  	v52 =	vld.idx.msk [tilespmem:v1+s27+$0x7F0 ss:$0x1], $0xffff;
	[tilespmem:v0+s27+$0xFFFFFBF0 ss:$0x1] =	vst.idx.msk $0xffff, v47  }
0x8c: {  	v53 =	vld.idx.msk [tilespmem:v1+s27+$0x800 ss:$0x1], $0xffff;
	[tilespmem:v0+s27+$0xFFFFFC00 ss:$0x1] =	vst.idx.msk $0xffff, v48  }
0x8d: {  	v54 =	vld.idx.msk [tilespmem:v1+s27+$0x810 ss:$0x1], $0xffff;
	[tilespmem:v0+s27+$0xFFFFFF90 ss:$0x1] =	vst.idx.msk $0xffff, v49  }
0x8e: {  	v55 =	vld.idx.msk [tilespmem:v1+s27+$0x820 ss:$0x1], $0xffff;
	[tilespmem:v0+s27+$0xFFFFFFA0 ss:$0x1] =	vst.idx.msk $0xffff, v50  }
0x8f: {  	v56 =	vld.idx.msk [tilespmem:v1+s27+$0x830 ss:$0x1], $0xffff;
	[tilespmem:v0+s27+$0xFFFFFFB0 ss:$0x1] =	vst.idx.msk $0xffff, v51  }
0x90: {  	v57 =	vld.idx.msk [tilespmem:v1+s27+$0xBC0 ss:$0x1], $0xffff;
	[tilespmem:v0+s27+$0xFFFFFFC0 ss:$0x1] =	vst.idx.msk $0xffff, v52  }
0x91: {  	v58 =	vld.idx.msk [tilespmem:v1+s27+$0xBD0 ss:$0x1], $0xffff;
	[tilespmem:v0+s27+$0xFFFFFFD0 ss:$0x1] =	vst.idx.msk $0xffff, v53  }
0x92: {  	v59 =	vld.idx.msk [tilespmem:v1+s27+$0xBE0 ss:$0x1], $0xffff;
	[tilespmem:v0+s27+$0xFFFFFFE0 ss:$0x1] =	vst.idx.msk $0xffff, v54  }
0x93: {  	v60 =	vld.idx.msk [tilespmem:v1+s27+$0xBF0 ss:$0x1], $0xffff;
	[tilespmem:v0+s27+$0xFFFFFFF0 ss:$0x1] =	vst.idx.msk $0xffff, v55  }
0x94: {  	v61 =	vld.idx.msk [tilespmem:v1+s27+$0xC00 ss:$0x1], $0xffff;
	[tilespmem:v0+s27+$0x0 ss:$0x1] =	vst.idx.msk $0xffff, v56  }
0x95: {  	v62 =	vld.idx.msk [tilespmem:v1+s27+$0xC10 ss:$0x1], $0xffff;
	s24 =	sadd.s32 $0x1, s24;
	[tilespmem:v0+s27+$0x390 ss:$0x1] =	vst.idx.msk $0xffff, v57  }
0x96: {  	v63 =	vld.idx.msk [tilespmem:v1+s27+$0xC20 ss:$0x1], $0xffff;
	p0 =	sne.s32 s24, $0x4;
	[tilespmem:v0+s27+$0x3A0 ss:$0x1] =	vst.idx.msk $0xffff, v58  }
.Ltmp4:
0x97: {  	[tilespmem:v0+s27+$0x3B0 ss:$0x1] =	vst.idx.msk $0xffff, v59;
	(pc) =	sbr.rel @p0 .LBB1_3-.Ltmp4, $4  }
0x98: {  	[tilespmem:v0+s27+$0x3C0 ss:$0x1] =	vst.idx.msk $0xffff, v60  }
0x99: {  	[tilespmem:v0+s27+$0x3D0 ss:$0x1] =	vst.idx.msk $0xffff, v61  }
0x9a: {  	[tilespmem:v0+s27+$0x3E0 ss:$0x1] =	vst.idx.msk $0xffff, v62  }
0x9b: {  	s22 =	sadd.s32 $0x1000, s22;
	s23 =	sadd.s32 $0x1000, s23;
	[tilespmem:v0+s27+$0x3F0 ss:$0x1] =	vst.idx.msk $0xffff, v63  }
0x9c: {  	s22 =	sshll.u32 s17, $0x9;
	s23 =	sshll.u32 s17, $0x7  }
0x9d: {  	s22 =	sand.u32 $0xFFFFF000, s22;
	s23 =	sand.u32 $0x200, s23  }
0x9e: {  	s20 =	smul.u32 $0x600, s20;
	s22 =	sor.u32 s23, s22  }
0x9f: {  	s19 =	smul.u32 $0xC00, s19;
	s22 =	sshrl.u32 s22, $0x9  }
0xa0: {  	s28 =	smulhi.u32 $0xAAAAAAB, s22  }
0xa1: {  	s18 =	smul.u32 $0x12000, s18  }
0xa2: {  	s20 =	sadd.s32 s4, s20;
	s23 =	smul.u32 $0x18, s28  }
.Ltmp5:
0xa3: {  	s29 =	sshll.u32 s17, $0x4;
	s19 =	sadd.s32 s19, s20;
	(pc) =	sbr.rel .LBB1_7-.Ltmp5, $4  }
0xa4: {  	s17 =	sand.u32 $0x30, s29;
	s18 =	sadd.s32 s18, s19;
	s30 =	ssub.s32 s22, s23  }
0xa5: {  	s17 =	sadd.s32 s17, s18;
	s31 =	sshll.u32 s30, $0x6  }
0xa6: {  	s17 =	sadd.s32 s31, s17  }
0xa7: {  	[hbm4b:s17+s9] =	stream.strided.scatter [tilespmem:s21], [sflag:$0x2], $0x4000, s10, s9, $0x38;
	[tilespmem:$0x10000] =	vst v63  }
.LBB1_8:
0xa8: {  	_ =	sfence.sel $0x180000  }
0xa9: {  	s1 =	simm.s32 $0x1;
	[bflag:$0x0] =	sbarrier.arrive $0xFFFF  }
0xaa: {  	s31 =	simm.s32 $0x2;
	[sflag:s1] =	ssyncpa.u1 $0x1  }
0xab: {  	[sflag:s31] =	ssyncpa.u1 $0x1  }
0xac: {  	p0 =	sne.s32 s0, $0x0;
	_ =	strace $0x90000050  }
0xad: {  	s0 =	sadd.s32 @!p0 $0x100000, s3;
	[bflag:$0x2] =	sbarrier.arrive $0xFFFF  }
0xae: {  	[sflag:s0] =	ssyncadd.tile.s32 @!p0 $0x1;
	_ =	shalt  }
.Lfunc_end1:
_tile_overlayer_lowered:
.L_overlay_start_2:
0xaf: {  	(tag) =	ssettag $0x2  }
0xb0: {  	s0 =	rddreg [dreg:$0x0];
	s2 =	stileid.u32  }
0xb1: {  	s1 =	rddreg [dreg:$0x1];
	p0 =	sne.s32 s2, $0x0  }
0xb2: {  	s3 =	rddreg [dreg:$0x2];
	[bflag:$0x3] =	sbarrier.arrive $0xFFFF;
	s2 =	simm.s32 @!p0 $0x1C01  }
0xb3: {  	[timem:s3], [sflag:s2] =	dma.local @!p0 [hbm:s0], s1  }
0xb4: {  	s0 =	simm.s32 @!p0 $0x1  }
0xb5: {  	_ =	swait.ge @!p0 [sflag:s0], s1  }
0xb6: {  	s1 =	ssub.s32 @!p0 $0x0, s1;
	[sflag:s0] =	ssyncset.done @!p0 $0x0  }
0xb7: {  	[sflag:s0] =	ssyncadd.s32 @!p0 s1  }
0xb8: {  	[bflag:$0x3] =	sbarrier.arrive $0xFFFF  }
0xb9: {  	_ =	shalt  }

</sc_bundles>
